<compile_context>
chip_gen: v7x
topology: tpu7x:2x2x1
jax: 0.10.2.dev20260603
libtpu: 0.0.44.dev20260713+nightly
codegen_flags: <defaults>
</compile_context>

<pallas_src>
import functools

import jax
import jax.numpy as jnp
from jax import lax
from jax.experimental import pallas as pl
from jax.experimental.pallas import tpu as pltpu
from jax.experimental.pallas import tpu_sc as plsc

N = 10000
E = 320000
D_IN = 128
D_HID = 128
D_OUT = 40
D_PAD = 64

NC = 2
NS = 16
NW = NC * NS
CHUNK = 80
NCHUNK = E // CHUNK
CPT = NCHUNK // NW
NSTAGE = 5
SPS = CPT // NSTAGE
ROWS_A = 632
ROWS_LAST = N - (NS - 1) * ROWS_A

_MESH = plsc.VectorSubcoreMesh(core_axis_name="c", subcore_axis_name="s")


def _zero_slice(zerosD, acc, s):
    @pl.when(s < NS - 1)
    def _():
        pltpu.sync_copy(zerosD, acc.at[pl.ds(s * ROWS_A, ROWS_A)])

    @pl.when(s == NS - 1)
    def _():
        pltpu.sync_copy(zerosD.at[pl.ds(0, ROWS_LAST)],
                        acc.at[pl.ds((NS - 1) * ROWS_A, ROWS_LAST)])


def _copy_out_slice(acc, out, c, s):
    @pl.when(s < NS - 1)
    def _():
        pltpu.sync_copy(acc.at[pl.ds(s * ROWS_A, ROWS_A)],
                        out.at[c, pl.ds(s * ROWS_A, ROWS_A)])

    @pl.when(s == NS - 1)
    def _():
        pltpu.sync_copy(acc.at[pl.ds((NS - 1) * ROWS_A, ROWS_LAST)],
                        out.at[c, pl.ds((NS - 1) * ROWS_A, ROWS_LAST)])


@functools.partial(
    pl.kernel,
    out_type=jax.ShapeDtypeStruct((NC, N, 16), jnp.float32),
    mesh=_MESH,
    scratch_types=[
        pltpu.VMEM_SHARED((N, 16), jnp.float32),
        pltpu.VMEM((CHUNK, 16), jnp.float32),
        pltpu.VMEM((CPT, CHUNK), jnp.int32),
        pltpu.SemaphoreType.DMA,
    ],
)
def _deg_kernel(dst3d, ones16, zeros16, out, acc, onesb, idxb, dsem):
    c = lax.axis_index("c")
    s = lax.axis_index("s")
    wid = s * NC + c
    _zero_slice(zeros16, acc, s)
    pltpu.sync_copy(ones16, onesb)
    pltpu.sync_copy(dst3d.at[wid], idxb)
    plsc.subcore_barrier()

    def body(j, carry):
        pltpu.async_copy(onesb, acc.at[idxb.at[j]], dsem, add=True)

        @pl.when(j >= 8)
        def _():
            pltpu.make_async_copy(onesb, acc.at[idxb.at[j - 8]], dsem).wait()

        return carry

    lax.fori_loop(0, CPT, body, 0)

    def drain(j, carry):
        pltpu.make_async_copy(onesb, acc.at[idxb.at[j]], dsem).wait()
        return carry

    lax.fori_loop(CPT - 8, CPT, drain, 0)
    plsc.subcore_barrier()
    _copy_out_slice(acc, out, c, s)


def _make_scatter(D):
    @functools.partial(
        pl.kernel,
        out_type=jax.ShapeDtypeStruct((NC, N, D), jnp.float32),
        mesh=_MESH,
        scratch_types=[
            pltpu.VMEM_SHARED((N, D), jnp.float32),
            pltpu.VMEM((SPS, CHUNK), jnp.int32),
            pltpu.VMEM((SPS, CHUNK), jnp.int32),
            pltpu.VMEM((3, CHUNK, D), jnp.float32),
            pltpu.SemaphoreType.DMA((3,)),
            pltpu.SemaphoreType.DMA((3,)),
        ],
    )
    def _scatter_kernel(z, src4d, dst4d, zerosD, out, acc, srcb, dstb, rows,
                        gsem, ssem):
        c = lax.axis_index("c")
        s = lax.axis_index("s")
        wid = s * NC + c
        _zero_slice(zerosD, acc, s)
        plsc.subcore_barrier()

        def stage_body(st, carry):
            pltpu.sync_copy(src4d.at[wid, st], srcb)
            pltpu.sync_copy(dst4d.at[wid, st], dstb)
            pltpu.async_copy(z.at[srcb.at[0]], rows.at[0], gsem.at[0])
            pltpu.async_copy(z.at[srcb.at[1]], rows.at[1], gsem.at[1])

            def body(j, carry2):
                b = j % 3
                pltpu.make_async_copy(z.at[srcb.at[j]], rows.at[b],
                                      gsem.at[b]).wait()
                pltpu.async_copy(rows.at[b], acc.at[dstb.at[j]], ssem.at[b],
                                 add=True)

                @pl.when(j >= 1)
                def _():
                    pltpu.make_async_copy(rows.at[(j - 1) % 3],
                                          acc.at[dstb.at[j - 1]],
                                          ssem.at[(j - 1) % 3]).wait()

                @pl.when(j + 2 < SPS)
                def _():
                    pltpu.async_copy(z.at[srcb.at[j + 2]],
                                     rows.at[(j + 2) % 3],
                                     gsem.at[(j + 2) % 3])

                return carry2

            lax.fori_loop(0, SPS, body, 0)
            pltpu.make_async_copy(rows.at[(SPS - 1) % 3],
                                  acc.at[dstb.at[SPS - 1]],
                                  ssem.at[(SPS - 1) % 3]).wait()
            return carry

        lax.fori_loop(0, NSTAGE, stage_body, 0)
        plsc.subcore_barrier()
        _copy_out_slice(acc, out, c, s)

    return _scatter_kernel


_scatter128 = _make_scatter(D_HID)


@functools.partial(
    pl.kernel,
    out_type=jax.ShapeDtypeStruct((NC, N, D_PAD), jnp.float32),
    mesh=_MESH,
    scratch_types=[
        pltpu.VMEM_SHARED((N, D_PAD), jnp.float32),
        pltpu.VMEM_SHARED((N, D_PAD), jnp.float32),
        pltpu.VMEM((SPS, CHUNK), jnp.int32),
        pltpu.VMEM((SPS, CHUNK), jnp.int32),
        pltpu.VMEM((3, CHUNK, D_PAD), jnp.float32),
        pltpu.SemaphoreType.DMA((3,)),
        pltpu.SemaphoreType.DMA((3,)),
    ],
)
def _scatter_spmem(z, src4d, dst4d, zerosD, out, zs, acc, srcb, dstb, rows,
                   gsem, ssem):
    c = lax.axis_index("c")
    s = lax.axis_index("s")
    wid = s * NC + c
    _zero_slice(zerosD, acc, s)

    @pl.when(s < NS - 1)
    def _():
        pltpu.sync_copy(z.at[pl.ds(s * ROWS_A, ROWS_A)],
                        zs.at[pl.ds(s * ROWS_A, ROWS_A)])

    @pl.when(s == NS - 1)
    def _():
        pltpu.sync_copy(z.at[pl.ds((NS - 1) * ROWS_A, ROWS_LAST)],
                        zs.at[pl.ds((NS - 1) * ROWS_A, ROWS_LAST)])

    plsc.subcore_barrier()

    def stage_body(st, carry):
        pltpu.sync_copy(src4d.at[wid, st], srcb)
        pltpu.sync_copy(dst4d.at[wid, st], dstb)
        pltpu.async_copy(zs.at[srcb.at[0]], rows.at[0], gsem.at[0])
        pltpu.async_copy(zs.at[srcb.at[1]], rows.at[1], gsem.at[1])

        def body(j, carry2):
            b = j % 3
            pltpu.make_async_copy(zs.at[srcb.at[j]], rows.at[b],
                                  gsem.at[b]).wait()
            pltpu.async_copy(rows.at[b], acc.at[dstb.at[j]], ssem.at[b],
                             add=True)

            @pl.when(j >= 1)
            def _():
                pltpu.make_async_copy(rows.at[(j - 1) % 3],
                                      acc.at[dstb.at[j - 1]],
                                      ssem.at[(j - 1) % 3]).wait()

            @pl.when(j + 2 < SPS)
            def _():
                pltpu.async_copy(zs.at[srcb.at[j + 2]], rows.at[(j + 2) % 3],
                                 gsem.at[(j + 2) % 3])

            return carry2

        lax.fori_loop(0, SPS, body, 0)
        pltpu.make_async_copy(rows.at[(SPS - 1) % 3],
                              acc.at[dstb.at[SPS - 1]],
                              ssem.at[(SPS - 1) % 3]).wait()
        return carry

    lax.fori_loop(0, NSTAGE, stage_body, 0)
    plsc.subcore_barrier()
    _copy_out_slice(acc, out, c, s)


_R = 1000


def _dinv_of(degp_blk):
    deg = 1.0 + jnp.sum(degp_blk[0] + degp_blk[1], axis=1)
    return lax.rsqrt(deg)


def _xw_body(x, w1, o):
    o[...] = jnp.dot(x[...], w1[...], preferred_element_type=jnp.float32)


def _z1_body(degp, xw, o):
    dinv = _dinv_of(degp[...])
    o[...] = dinv[:, None] * xw[...]


def _mid_body(degp, parts, z1, b1, w2, o):
    dinv = _dinv_of(degp[...])
    agg = parts[0] + parts[1] + z1[...]
    h = jnp.maximum(dinv[:, None] * agg + b1[...], 0.0)
    o[...] = dinv[:, None] * jnp.dot(h, w2[...],
                                     preferred_element_type=jnp.float32)


def _out_body(degp, parts, z2, b2, o):
    dinv = _dinv_of(degp[...])
    logits = dinv[:, None] * (parts[0] + parts[1] + z2[...]) + b2[...]
    m = jnp.max(logits, axis=1, keepdims=True)
    lse = jnp.log(jnp.sum(jnp.exp(logits - m), axis=1, keepdims=True)) + m
    o[...] = logits - lse


def _tc_call(body, out_d, in_specs):
    return pl.pallas_call(
        body,
        grid=(N // _R,),
        in_specs=in_specs,
        out_specs=pl.BlockSpec((_R, out_d), lambda i: (i, 0)),
        out_shape=jax.ShapeDtypeStruct((N, out_d), jnp.float32),
    )


_DEGP_SPEC = pl.BlockSpec((2, _R, 16), lambda i: (0, i, 0))


def _xw_call(x, w1):
    return _tc_call(_xw_body, D_HID, [
        pl.BlockSpec((_R, D_IN), lambda i: (i, 0)),
        pl.BlockSpec((D_IN, D_HID), lambda i: (0, 0)),
    ])(x, w1)


def _z1_call(degp, xw):
    return _tc_call(_z1_body, D_HID, [
        _DEGP_SPEC,
        pl.BlockSpec((_R, D_HID), lambda i: (i, 0)),
    ])(degp, xw)


def _mid_call(degp, parts, z1, b1, w2):
    return _tc_call(_mid_body, D_PAD, [
        _DEGP_SPEC,
        pl.BlockSpec((2, _R, D_HID), lambda i: (0, i, 0)),
        pl.BlockSpec((_R, D_HID), lambda i: (i, 0)),
        pl.BlockSpec((1, D_HID), lambda i: (0, 0)),
        pl.BlockSpec((D_HID, D_PAD), lambda i: (0, 0)),
    ])(degp, parts, z1, b1, w2)


def _out_call(degp, parts, z2, b2):
    return _tc_call(_out_body, D_PAD, [
        _DEGP_SPEC,
        pl.BlockSpec((2, _R, D_PAD), lambda i: (0, i, 0)),
        pl.BlockSpec((_R, D_PAD), lambda i: (i, 0)),
        pl.BlockSpec((1, D_PAD), lambda i: (0, 0)),
    ])(degp, parts, z2, b2)


def kernel(x, edge_index, W1, b1, W2, b2):
    src4d = edge_index[0].reshape(NW, NSTAGE, SPS, CHUNK)
    dst4d = edge_index[1].reshape(NW, NSTAGE, SPS, CHUNK)
    dst3d = edge_index[1].reshape(NW, CPT, CHUNK)

    zeros16 = jnp.zeros((ROWS_A, 16), jnp.float32)
    zeros128 = jnp.zeros((ROWS_A, D_HID), jnp.float32)
    zeros48 = jnp.zeros((ROWS_A, D_PAD), jnp.float32)
    ones16 = jnp.zeros((CHUNK, 16), jnp.float32).at[:, 0].set(1.0)

    w2pad = jnp.zeros((D_HID, D_PAD), jnp.float32).at[:, :D_OUT].set(W2)
    b1r = b1.reshape(1, D_HID)
    b2pad = jnp.full((1, D_PAD), -1e30, jnp.float32).at[0, :D_OUT].set(b2)

    degp = _deg_kernel(dst3d, ones16, zeros16)
    xw1 = _xw_call(x, W1)
    z1 = _z1_call(degp, xw1)
    p1 = _scatter128(z1, src4d, dst4d, zeros128)
    z2 = _mid_call(degp, p1, z1, b1r, w2pad)
    q2 = _scatter_spmem(z2, src4d, dst4d, zeros48)
    outp = _out_call(degp, q2, z2, b2pad)
    return outp[:, :D_OUT]

# --- scband reference (transcript-rebuilt; emitter-appended) ---
"""Pipeline reference for scband-gcn-58660663329125 (READ-ONLY COPY).

The authoritative reference and input builder live on the scoring server;
editing this copy changes nothing except your own understanding.
"""

import jax, jax.numpy as jnp
import numpy as np

N = 10000
E = 320000
D_IN = 128
D_HID = 128
D_OUT = 40


def gcn_conv(x, edge_index, W, b, num_nodes):
    # PyG GCNConv: x' = D^{-1/2} (A + I) D^{-1/2} (X W) + b
    src = edge_index[0]
    dst = edge_index[1]
    loop = jnp.arange(num_nodes, dtype=src.dtype)
    src = jnp.concatenate([src, loop])
    dst = jnp.concatenate([dst, loop])
    deg = jnp.zeros((num_nodes,), dtype=x.dtype).at[dst].add(1.0)
    dinv = jnp.where(deg > 0, jax.lax.rsqrt(deg), 0.0)
    norm = dinv[src] * dinv[dst]
    xw = x @ W
    msg = jnp.take(xw, src, axis=0) * norm[:, None]
    out = jnp.zeros((num_nodes, W.shape[1]), dtype=x.dtype).at[dst].add(msg)
    return out + b


def setup_inputs(seed: int = 0) -> dict:
    key = jax.random.key(seed)
    ks = jax.random.split(key, 6)
    x = jax.random.normal(ks[0], (N, D_IN), dtype=jnp.float32)
    edge_index = jax.random.randint(ks[1], (2, E), 0, N, dtype=jnp.int32)
    W1 = jax.random.normal(ks[2], (D_IN, D_HID), dtype=jnp.float32) * (1.0 / np.sqrt(D_IN))
    b1 = jnp.zeros((D_HID,), dtype=jnp.float32)
    W2 = jax.random.normal(ks[3], (D_HID, D_OUT), dtype=jnp.float32) * (1.0 / np.sqrt(D_HID))
    b2 = jnp.zeros((D_OUT,), dtype=jnp.float32)
    return {"x": x, "edge_index": edge_index, "W1": W1, "b1": b1, "W2": W2, "b2": b2}


def reference(x, edge_index, W1, b1, W2, b2):
    # eval mode: dropout is identity
    h = gcn_conv(x, edge_index, W1, b1, N)
    h = jax.nn.relu(h)
    out = gcn_conv(h, edge_index, W2, b2, N)
    return jax.nn.log_softmax(out, axis=1)

if __name__ == "__main__":
    import jax
    _d = setup_inputs()
    print(jax.jit(kernel)(*tuple(_d.values())))

</pallas_src>

<mosaic_0001>
#map = affine_map<(d0, d1) -> (0, 0)>
#map1 = affine_map<(d0, d1) -> (0, 0, 0, 0)>
#map2 = affine_map<(d0, d1) -> (0, 0, 0)>
module attributes {stable_mosaic.version = 14 : i64} {
  func.func @_scatter_kernel(%arg0: i32, %arg1: i32, %arg2: memref<10000x128xf32, #tpu.memory_space<hbm>>, %arg3: memref<32x5x25x80xi32, #tpu.memory_space<hbm>>, %arg4: memref<32x5x25x80xi32, #tpu.memory_space<hbm>>, %arg5: memref<632x128xf32, #tpu.memory_space<hbm>>, %arg6: memref<2x10000x128xf32, #tpu.memory_space<hbm>>, %arg7: memref<10000x128xf32, #tpu.memory_space<vmem_shared>>, %arg8: memref<25x80xi32, #tpu.memory_space<vmem>>, %arg9: memref<25x80xi32, #tpu.memory_space<vmem>>, %arg10: memref<3x80x128xf32, #tpu.memory_space<vmem>>, %arg11: memref<3x!tpu.dma_semaphore, #tpu.memory_space<semaphore_mem>>, %arg12: memref<3x!tpu.dma_semaphore, #tpu.memory_space<semaphore_mem>>) attributes {dimension_semantics = [#tpu.dimension_semantics<core_parallel>, #tpu.dimension_semantics<subcore_parallel>], iteration_bounds = array<i64: 2, 16>, scalar_prefetch = 0 : i64, scratch_operands = 6 : i64, tpu.core_type = #tpu.core_type<sc_vector_subcore>, window_params = [{transform_indices = #map}, {transform_indices = #map1}, {transform_indices = #map1}, {transform_indices = #map}, {transform_indices = #map2}]} {
    %mul3A = arith.constant 2 : i32
    %mul3A_0 = arith.muli %arg1, %mul3A : i32
    %add3A = arith.addi %mul3A_0, %arg0 : i32
    %lt3A = arith.constant 15 : i32
    %lt3A_1 = arith.cmpi slt, %arg1, %lt3A : i32
    %convert_element_type3A = arith.extui %lt3A_1 : i1 to i32
    %cond3A = arith.constant 0 : i32
    %cond3A_2 = arith.cmpi ne, %convert_element_type3A, %cond3A : i32
    scf.if %cond3A_2 {
      %mul3A_23 = arith.constant 632 : i32
      %mul3A_24 = arith.muli %arg1, %mul3A_23 : i32
      "tpu.region"() ({
        %run_scoped3A = tpu.sem_alloc : memref<!tpu.dma_semaphore, #tpu.memory_space<semaphore_mem>>
        %dma_start3A = arith.constant 0 : i32
        %dma_start3A_25 = tpu.memref_slice %arg7[%mul3A_24, %dma_start3A] : memref<10000x128xf32, #tpu.memory_space<vmem_shared>> -> memref<632x128xf32, #tpu.memory_space<vmem_shared>>
        tpu.enqueue_dma source(%arg5 : memref<632x128xf32, #tpu.memory_space<hbm>>) target(%dma_start3A_25 : memref<632x128xf32, #tpu.memory_space<vmem_shared>>) target_semaphore(%run_scoped3A : memref<!tpu.dma_semaphore, #tpu.memory_space<semaphore_mem>>)
        %dma_wait3A = arith.constant 0 : i32
        %dma_wait3A_26 = tpu.memref_slice %arg7[%mul3A_24, %dma_wait3A] : memref<10000x128xf32, #tpu.memory_space<vmem_shared>> -> memref<632x128xf32, #tpu.memory_space<vmem_shared>>
        tpu.wait_dma2 semaphore(%run_scoped3A : memref<!tpu.dma_semaphore, #tpu.memory_space<semaphore_mem>>) src(%arg5 : memref<632x128xf32, #tpu.memory_space<hbm>>) dst(%dma_wait3A_26 : memref<632x128xf32, #tpu.memory_space<vmem_shared>>)
        tpu.yield
      }) : () -> ()
    } else {
    }
    %eq3A = arith.constant 15 : i32
    %eq3A_3 = arith.cmpi eq, %arg1, %eq3A : i32
    %convert_element_type3A_4 = arith.extui %eq3A_3 : i1 to i32
    %cond3A_5 = arith.constant 0 : i32
    %cond3A_6 = arith.cmpi ne, %convert_element_type3A_4, %cond3A_5 : i32
    scf.if %cond3A_6 {
      "tpu.region"() ({
        %run_scoped3A = tpu.sem_alloc : memref<!tpu.dma_semaphore, #tpu.memory_space<semaphore_mem>>
        %dma_start3A = arith.constant 9480 : i32
        %dma_start3A_23 = arith.constant 0 : i32
        %dma_start3A_24 = tpu.memref_slice %arg7[%dma_start3A, %dma_start3A_23] : memref<10000x128xf32, #tpu.memory_space<vmem_shared>> -> memref<520x128xf32, #tpu.memory_space<vmem_shared>>
        %dma_start3A_25 = arith.constant 0 : i32
        %dma_start3A_26 = arith.constant 0 : i32
        %dma_start3A_27 = tpu.memref_slice %arg5[%dma_start3A_25, %dma_start3A_26] : memref<632x128xf32, #tpu.memory_space<hbm>> -> memref<520x128xf32, #tpu.memory_space<hbm>>
        tpu.enqueue_dma source(%dma_start3A_27 : memref<520x128xf32, #tpu.memory_space<hbm>>) target(%dma_start3A_24 : memref<520x128xf32, #tpu.memory_space<vmem_shared>>) target_semaphore(%run_scoped3A : memref<!tpu.dma_semaphore, #tpu.memory_space<semaphore_mem>>)
        %dma_wait3A = arith.constant 9480 : i32
        %dma_wait3A_28 = arith.constant 0 : i32
        %dma_wait3A_29 = tpu.memref_slice %arg7[%dma_wait3A, %dma_wait3A_28] : memref<10000x128xf32, #tpu.memory_space<vmem_shared>> -> memref<520x128xf32, #tpu.memory_space<vmem_shared>>
        %dma_wait3A_30 = arith.constant 0 : i32
        %dma_wait3A_31 = arith.constant 0 : i32
        %dma_wait3A_32 = tpu.memref_slice %arg5[%dma_wait3A_30, %dma_wait3A_31] : memref<632x128xf32, #tpu.memory_space<hbm>> -> memref<520x128xf32, #tpu.memory_space<hbm>>
        tpu.wait_dma2 semaphore(%run_scoped3A : memref<!tpu.dma_semaphore, #tpu.memory_space<semaphore_mem>>) src(%dma_wait3A_32 : memref<520x128xf32, #tpu.memory_space<hbm>>) dst(%dma_wait3A_29 : memref<520x128xf32, #tpu.memory_space<vmem_shared>>)
        tpu.yield
      }) : () -> ()
    } else {
    }
    %barrier3A = arith.constant 0 : index
    tpu.barrier barrier_id(%barrier3A)
    %scan3A = arith.constant 0 : i32
    %scan3A_7 = arith.constant 0 : i32
    %scan3A_8 = arith.constant 5 : i32
    %scan3A_9 = arith.addi %scan3A_7, %scan3A_8 : i32
    %scan3A_10 = arith.constant 1 : i32
    scf.for %scan3A_23 = %scan3A_7 to %scan3A_9 step %scan3A_10  : i32 {
      "tpu.region"() ({
        %run_scoped3A = tpu.sem_alloc : memref<!tpu.dma_semaphore, #tpu.memory_space<semaphore_mem>>
        %dma_start3A_73 = arith.constant 0 : i32
        %dma_start3A_74 = arith.constant 0 : i32
        %dma_start3A_75 = tpu.memref_slice %arg3[%add3A, %scan3A_23, %dma_start3A_73, %dma_start3A_74] : memref<32x5x25x80xi32, #tpu.memory_space<hbm>> -> memref<1x1x25x80xi32, #tpu.memory_space<hbm>>
        %dma_start3A_76 = tpu.memref_squeeze %dma_start3A_75 : memref<1x1x25x80xi32, #tpu.memory_space<hbm>> -> memref<25x80xi32, #tpu.memory_space<hbm>>
        %dma_start3A_77 = arith.constant 0 : i32
        %dma_start3A_78 = arith.constant 0 : i32
        %dma_start3A_79 = tpu.memref_slice %arg3[%add3A, %scan3A_23, %dma_start3A_77, %dma_start3A_78] : memref<32x5x25x80xi32, #tpu.memory_space<hbm>> -> memref<1x1x25x80xi32, #tpu.memory_space<hbm>>
        %dma_start3A_80 = tpu.memref_squeeze %dma_start3A_79 : memref<1x1x25x80xi32, #tpu.memory_space<hbm>> -> memref<25x80xi32, #tpu.memory_space<hbm>>
        tpu.enqueue_dma source(%dma_start3A_80 : memref<25x80xi32, #tpu.memory_space<hbm>>) target(%arg8 : memref<25x80xi32, #tpu.memory_space<vmem>>) target_semaphore(%run_scoped3A : memref<!tpu.dma_semaphore, #tpu.memory_space<semaphore_mem>>)
        %dma_wait3A_81 = arith.constant 0 : i32
        %dma_wait3A_82 = arith.constant 0 : i32
        %dma_wait3A_83 = tpu.memref_slice %arg3[%add3A, %scan3A_23, %dma_wait3A_81, %dma_wait3A_82] : memref<32x5x25x80xi32, #tpu.memory_space<hbm>> -> memref<1x1x25x80xi32, #tpu.memory_space<hbm>>
        %dma_wait3A_84 = tpu.memref_squeeze %dma_wait3A_83 : memref<1x1x25x80xi32, #tpu.memory_space<hbm>> -> memref<25x80xi32, #tpu.memory_space<hbm>>
        %dma_wait3A_85 = arith.constant 0 : i32
        %dma_wait3A_86 = arith.constant 0 : i32
        %dma_wait3A_87 = tpu.memref_slice %arg3[%add3A, %scan3A_23, %dma_wait3A_85, %dma_wait3A_86] : memref<32x5x25x80xi32, #tpu.memory_space<hbm>> -> memref<1x1x25x80xi32, #tpu.memory_space<hbm>>
        %dma_wait3A_88 = tpu.memref_squeeze %dma_wait3A_87 : memref<1x1x25x80xi32, #tpu.memory_space<hbm>> -> memref<25x80xi32, #tpu.memory_space<hbm>>
        tpu.wait_dma2 semaphore(%run_scoped3A : memref<!tpu.dma_semaphore, #tpu.memory_space<semaphore_mem>>) src(%dma_wait3A_88 : memref<25x80xi32, #tpu.memory_space<hbm>>) dst(%arg8 : memref<25x80xi32, #tpu.memory_space<vmem>>)
        tpu.yield
      }) : () -> ()
      "tpu.region"() ({
        %run_scoped3A = tpu.sem_alloc : memref<!tpu.dma_semaphore, #tpu.memory_space<semaphore_mem>>
        %dma_start3A_73 = arith.constant 0 : i32
        %dma_start3A_74 = arith.constant 0 : i32
        %dma_start3A_75 = tpu.memref_slice %arg4[%add3A, %scan3A_23, %dma_start3A_73, %dma_start3A_74] : memref<32x5x25x80xi32, #tpu.memory_space<hbm>> -> memref<1x1x25x80xi32, #tpu.memory_space<hbm>>
        %dma_start3A_76 = tpu.memref_squeeze %dma_start3A_75 : memref<1x1x25x80xi32, #tpu.memory_space<hbm>> -> memref<25x80xi32, #tpu.memory_space<hbm>>
        %dma_start3A_77 = arith.constant 0 : i32
        %dma_start3A_78 = arith.constant 0 : i32
        %dma_start3A_79 = tpu.memref_slice %arg4[%add3A, %scan3A_23, %dma_start3A_77, %dma_start3A_78] : memref<32x5x25x80xi32, #tpu.memory_space<hbm>> -> memref<1x1x25x80xi32, #tpu.memory_space<hbm>>
        %dma_start3A_80 = tpu.memref_squeeze %dma_start3A_79 : memref<1x1x25x80xi32, #tpu.memory_space<hbm>> -> memref<25x80xi32, #tpu.memory_space<hbm>>
        tpu.enqueue_dma source(%dma_start3A_80 : memref<25x80xi32, #tpu.memory_space<hbm>>) target(%arg9 : memref<25x80xi32, #tpu.memory_space<vmem>>) target_semaphore(%run_scoped3A : memref<!tpu.dma_semaphore, #tpu.memory_space<semaphore_mem>>)
        %dma_wait3A_81 = arith.constant 0 : i32
        %dma_wait3A_82 = arith.constant 0 : i32
        %dma_wait3A_83 = tpu.memref_slice %arg4[%add3A, %scan3A_23, %dma_wait3A_81, %dma_wait3A_82] : memref<32x5x25x80xi32, #tpu.memory_space<hbm>> -> memref<1x1x25x80xi32, #tpu.memory_space<hbm>>
        %dma_wait3A_84 = tpu.memref_squeeze %dma_wait3A_83 : memref<1x1x25x80xi32, #tpu.memory_space<hbm>> -> memref<25x80xi32, #tpu.memory_space<hbm>>
        %dma_wait3A_85 = arith.constant 0 : i32
        %dma_wait3A_86 = arith.constant 0 : i32
        %dma_wait3A_87 = tpu.memref_slice %arg4[%add3A, %scan3A_23, %dma_wait3A_85, %dma_wait3A_86] : memref<32x5x25x80xi32, #tpu.memory_space<hbm>> -> memref<1x1x25x80xi32, #tpu.memory_space<hbm>>
        %dma_wait3A_88 = tpu.memref_squeeze %dma_wait3A_87 : memref<1x1x25x80xi32, #tpu.memory_space<hbm>> -> memref<25x80xi32, #tpu.memory_space<hbm>>
        tpu.wait_dma2 semaphore(%run_scoped3A : memref<!tpu.dma_semaphore, #tpu.memory_space<semaphore_mem>>) src(%dma_wait3A_88 : memref<25x80xi32, #tpu.memory_space<hbm>>) dst(%arg9 : memref<25x80xi32, #tpu.memory_space<vmem>>)
        tpu.yield
      }) : () -> ()
      %dma_start3A = arith.constant 0 : i32
      %dma_start3A_24 = arith.constant 0 : i32
      %dma_start3A_25 = arith.constant 0 : i32
      %dma_start3A_26 = arith.constant 0 : i32
      %dma_start3A_27 = arith.constant 0 : i32
      %dma_start3A_28 = tpu.memref_slice %arg10[%dma_start3A_24, %dma_start3A_26, %dma_start3A_27] : memref<3x80x128xf32, #tpu.memory_space<vmem>> -> memref<1x80x128xf32, #tpu.memory_space<vmem>>
      %dma_start3A_29 = tpu.memref_squeeze %dma_start3A_28 : memref<1x80x128xf32, #tpu.memory_space<vmem>> -> memref<80x128xf32, #tpu.memory_space<vmem>>
      %dma_start3A_30 = arith.constant 0 : i32
      %dma_start3A_31 = tpu.memref_slice %arg8[%dma_start3A, %dma_start3A_30] : memref<25x80xi32, #tpu.memory_space<vmem>> -> memref<1x80xi32, #tpu.memory_space<vmem>>
      %dma_start3A_32 = tpu.memref_squeeze %dma_start3A_31 : memref<1x80xi32, #tpu.memory_space<vmem>> -> memref<80xi32, #tpu.memory_space<vmem>>
      %dma_start3A_33 = arith.constant 0 : i32
      %dma_start3A_34 = arith.constant 0 : i32
      %dma_start3A_35 = tpu.memref_slice %arg2[%dma_start3A_33, %dma_start3A_34] : memref<10000x128xf32, #tpu.memory_space<hbm>> -> memref<10000x128xf32, #tpu.memory_space<hbm>>
      %dma_start3A_36 = tpu.memref_slice %arg11[%dma_start3A_25] : memref<3x!tpu.dma_semaphore, #tpu.memory_space<semaphore_mem>> -> memref<1x!tpu.dma_semaphore, #tpu.memory_space<semaphore_mem>>
      %dma_start3A_37 = tpu.memref_squeeze %dma_start3A_36 : memref<1x!tpu.dma_semaphore, #tpu.memory_space<semaphore_mem>> -> memref<!tpu.dma_semaphore, #tpu.memory_space<semaphore_mem>>
      tpu.enqueue_indirect_dma source(%dma_start3A_35 : memref<10000x128xf32, #tpu.memory_space<hbm>>) target(%dma_start3A_29 : memref<80x128xf32, #tpu.memory_space<vmem>>) offsets(%dma_start3A_32 : memref<80xi32, #tpu.memory_space<vmem>>) semaphore(%dma_start3A_37 : memref<!tpu.dma_semaphore, #tpu.memory_space<semaphore_mem>>)
      %dma_start3A_38 = arith.constant 1 : i32
      %dma_start3A_39 = arith.constant 1 : i32
      %dma_start3A_40 = arith.constant 1 : i32
      %dma_start3A_41 = arith.constant 0 : i32
      %dma_start3A_42 = arith.constant 0 : i32
      %dma_start3A_43 = tpu.memref_slice %arg10[%dma_start3A_39, %dma_start3A_41, %dma_start3A_42] : memref<3x80x128xf32, #tpu.memory_space<vmem>> -> memref<1x80x128xf32, #tpu.memory_space<vmem>>
      %dma_start3A_44 = tpu.memref_squeeze %dma_start3A_43 : memref<1x80x128xf32, #tpu.memory_space<vmem>> -> memref<80x128xf32, #tpu.memory_space<vmem>>
      %dma_start3A_45 = arith.constant 0 : i32
      %dma_start3A_46 = tpu.memref_slice %arg8[%dma_start3A_38, %dma_start3A_45] : memref<25x80xi32, #tpu.memory_space<vmem>> -> memref<1x80xi32, #tpu.memory_space<vmem>>
      %dma_start3A_47 = tpu.memref_squeeze %dma_start3A_46 : memref<1x80xi32, #tpu.memory_space<vmem>> -> memref<80xi32, #tpu.memory_space<vmem>>
      %dma_start3A_48 = arith.constant 0 : i32
      %dma_start3A_49 = arith.constant 0 : i32
      %dma_start3A_50 = tpu.memref_slice %arg2[%dma_start3A_48, %dma_start3A_49] : memref<10000x128xf32, #tpu.memory_space<hbm>> -> memref<10000x128xf32, #tpu.memory_space<hbm>>
      %dma_start3A_51 = tpu.memref_slice %arg11[%dma_start3A_40] : memref<3x!tpu.dma_semaphore, #tpu.memory_space<semaphore_mem>> -> memref<1x!tpu.dma_semaphore, #tpu.memory_space<semaphore_mem>>
      %dma_start3A_52 = tpu.memref_squeeze %dma_start3A_51 : memref<1x!tpu.dma_semaphore, #tpu.memory_space<semaphore_mem>> -> memref<!tpu.dma_semaphore, #tpu.memory_space<semaphore_mem>>
      tpu.enqueue_indirect_dma source(%dma_start3A_50 : memref<10000x128xf32, #tpu.memory_space<hbm>>) target(%dma_start3A_44 : memref<80x128xf32, #tpu.memory_space<vmem>>) offsets(%dma_start3A_47 : memref<80xi32, #tpu.memory_space<vmem>>) semaphore(%dma_start3A_52 : memref<!tpu.dma_semaphore, #tpu.memory_space<semaphore_mem>>)
      %scan3A_53 = arith.constant 0 : i32
      %scan3A_54 = arith.constant 0 : i32
      %scan3A_55 = arith.constant 25 : i32
      %scan3A_56 = arith.addi %scan3A_54, %scan3A_55 : i32
      %scan3A_57 = arith.constant 1 : i32
      scf.for %scan3A_73 = %scan3A_54 to %scan3A_56 step %scan3A_57  : i32 {
        %jit3A = arith.constant 3 : i32
        %eq3A_74 = arith.constant 0 : i32
        %eq3A_75 = arith.cmpi eq, %jit3A, %eq3A_74 : i32
        %jit3A_76 = arith.constant 1 : i32
        %select_n3A = arith.select %eq3A_75, %jit3A_76, %jit3A : i32
        %rem3A = arith.remsi %scan3A_73, %select_n3A : i32
        %ne3A = arith.constant 0 : i32
        %ne3A_77 = arith.cmpi ne, %rem3A, %ne3A : i32
        %lt3A_78 = arith.constant 0 : i32
        %lt3A_79 = arith.cmpi slt, %rem3A, %lt3A_78 : i32
        %lt3A_80 = arith.constant 0 : i32
        %lt3A_81 = arith.cmpi slt, %select_n3A, %lt3A_80 : i32
        %ne3A_82 = arith.xori %lt3A_79, %lt3A_81 : i1
        %and3A = arith.andi %ne3A_82, %ne3A_77 : i1
        %add3A_83 = arith.addi %rem3A, %select_n3A : i32
        %select_n3A_84 = arith.select %and3A, %add3A_83, %rem3A : i32
        %dma_wait3A_85 = arith.constant 0 : i32
        %dma_wait3A_86 = arith.constant 0 : i32
        %dma_wait3A_87 = tpu.memref_slice %arg10[%select_n3A_84, %dma_wait3A_85, %dma_wait3A_86] : memref<3x80x128xf32, #tpu.memory_space<vmem>> -> memref<1x80x128xf32, #tpu.memory_space<vmem>>
        %dma_wait3A_88 = tpu.memref_squeeze %dma_wait3A_87 : memref<1x80x128xf32, #tpu.memory_space<vmem>> -> memref<80x128xf32, #tpu.memory_space<vmem>>
        %dma_wait3A_89 = arith.constant 0 : i32
        %dma_wait3A_90 = tpu.memref_slice %arg8[%scan3A_73, %dma_wait3A_89] : memref<25x80xi32, #tpu.memory_space<vmem>> -> memref<1x80xi32, #tpu.memory_space<vmem>>
        %dma_wait3A_91 = tpu.memref_squeeze %dma_wait3A_90 : memref<1x80xi32, #tpu.memory_space<vmem>> -> memref<80xi32, #tpu.memory_space<vmem>>
        %dma_wait3A_92 = arith.constant 0 : i32
        %dma_wait3A_93 = arith.constant 0 : i32
        %dma_wait3A_94 = tpu.memref_slice %arg2[%dma_wait3A_92, %dma_wait3A_93] : memref<10000x128xf32, #tpu.memory_space<hbm>> -> memref<10000x128xf32, #tpu.memory_space<hbm>>
        %dma_wait3A_95 = tpu.memref_slice %arg11[%select_n3A_84] : memref<3x!tpu.dma_semaphore, #tpu.memory_space<semaphore_mem>> -> memref<1x!tpu.dma_semaphore, #tpu.memory_space<semaphore_mem>>
        %dma_wait3A_96 = tpu.memref_squeeze %dma_wait3A_95 : memref<1x!tpu.dma_semaphore, #tpu.memory_space<semaphore_mem>> -> memref<!tpu.dma_semaphore, #tpu.memory_space<semaphore_mem>>
        tpu.wait_indirect_dma semaphore(%dma_wait3A_96 : memref<!tpu.dma_semaphore, #tpu.memory_space<semaphore_mem>>) src(%dma_wait3A_94 : memref<10000x128xf32, #tpu.memory_space<hbm>>) dst(%dma_wait3A_88 : memref<80x128xf32, #tpu.memory_space<vmem>>)
        %dma_start3A_97 = arith.constant 0 : i32
        %dma_start3A_98 = arith.constant 0 : i32
        %dma_start3A_99 = tpu.memref_slice %arg10[%select_n3A_84, %dma_start3A_97, %dma_start3A_98] : memref<3x80x128xf32, #tpu.memory_space<vmem>> -> memref<1x80x128xf32, #tpu.memory_space<vmem>>
        %dma_start3A_100 = tpu.memref_squeeze %dma_start3A_99 : memref<1x80x128xf32, #tpu.memory_space<vmem>> -> memref<80x128xf32, #tpu.memory_space<vmem>>
        %dma_start3A_101 = arith.constant 0 : i32
        %dma_start3A_102 = tpu.memref_slice %arg9[%scan3A_73, %dma_start3A_101] : memref<25x80xi32, #tpu.memory_space<vmem>> -> memref<1x80xi32, #tpu.memory_space<vmem>>
        %dma_start3A_103 = tpu.memref_squeeze %dma_start3A_102 : memref<1x80xi32, #tpu.memory_space<vmem>> -> memref<80xi32, #tpu.memory_space<vmem>>
        %dma_start3A_104 = arith.constant 0 : i32
        %dma_start3A_105 = arith.constant 0 : i32
        %dma_start3A_106 = tpu.memref_slice %arg7[%dma_start3A_104, %dma_start3A_105] : memref<10000x128xf32, #tpu.memory_space<vmem_shared>> -> memref<10000x128xf32, #tpu.memory_space<vmem_shared>>
        %dma_start3A_107 = tpu.memref_slice %arg12[%select_n3A_84] : memref<3x!tpu.dma_semaphore, #tpu.memory_space<semaphore_mem>> -> memref<1x!tpu.dma_semaphore, #tpu.memory_space<semaphore_mem>>
        %dma_start3A_108 = tpu.memref_squeeze %dma_start3A_107 : memref<1x!tpu.dma_semaphore, #tpu.memory_space<semaphore_mem>> -> memref<!tpu.dma_semaphore, #tpu.memory_space<semaphore_mem>>
        tpu.enqueue_indirect_dma source(%dma_start3A_100 : memref<80x128xf32, #tpu.memory_space<vmem>>) target(%dma_start3A_106 : memref<10000x128xf32, #tpu.memory_space<vmem_shared>>) offsets(%dma_start3A_103 : memref<80xi32, #tpu.memory_space<vmem>>) semaphore(%dma_start3A_108 : memref<!tpu.dma_semaphore, #tpu.memory_space<semaphore_mem>>) {add = true}
        %ge3A = arith.constant 1 : i32
        %ge3A_109 = arith.cmpi sge, %scan3A_73, %ge3A : i32
        %convert_element_type3A_110 = arith.extui %ge3A_109 : i1 to i32
        %cond3A_111 = arith.constant 0 : i32
        %cond3A_112 = arith.cmpi ne, %convert_element_type3A_110, %cond3A_111 : i32
        scf.if %cond3A_112 {
          %sub3A = arith.constant 1 : i32
          %sub3A_120 = arith.subi %scan3A_73, %sub3A : i32
          %jit3A_121 = arith.constant 3 : i32
          %eq3A_122 = arith.constant 0 : i32
          %eq3A_123 = arith.cmpi eq, %jit3A_121, %eq3A_122 : i32
          %jit3A_124 = arith.constant 1 : i32
          %select_n3A_125 = arith.select %eq3A_123, %jit3A_124, %jit3A_121 : i32
          %rem3A_126 = arith.remsi %sub3A_120, %select_n3A_125 : i32
          %ne3A_127 = arith.constant 0 : i32
          %ne3A_128 = arith.cmpi ne, %rem3A_126, %ne3A_127 : i32
          %lt3A_129 = arith.constant 0 : i32
          %lt3A_130 = arith.cmpi slt, %rem3A_126, %lt3A_129 : i32
          %lt3A_131 = arith.constant 0 : i32
          %lt3A_132 = arith.cmpi slt, %select_n3A_125, %lt3A_131 : i32
          %ne3A_133 = arith.xori %lt3A_130, %lt3A_132 : i1
          %and3A_134 = arith.andi %ne3A_133, %ne3A_128 : i1
          %add3A_135 = arith.addi %rem3A_126, %select_n3A_125 : i32
          %select_n3A_136 = arith.select %and3A_134, %add3A_135, %rem3A_126 : i32
          %sub3A_137 = arith.constant 1 : i32
          %sub3A_138 = arith.subi %scan3A_73, %sub3A_137 : i32
          %sub3A_139 = arith.constant 1 : i32
          %sub3A_140 = arith.subi %scan3A_73, %sub3A_139 : i32
          %jit3A_141 = arith.constant 3 : i32
          %eq3A_142 = arith.constant 0 : i32
          %eq3A_143 = arith.cmpi eq, %jit3A_141, %eq3A_142 : i32
          %jit3A_144 = arith.constant 1 : i32
          %select_n3A_145 = arith.select %eq3A_143, %jit3A_144, %jit3A_141 : i32
          %rem3A_146 = arith.remsi %sub3A_140, %select_n3A_145 : i32
          %ne3A_147 = arith.constant 0 : i32
          %ne3A_148 = arith.cmpi ne, %rem3A_146, %ne3A_147 : i32
          %lt3A_149 = arith.constant 0 : i32
          %lt3A_150 = arith.cmpi slt, %rem3A_146, %lt3A_149 : i32
          %lt3A_151 = arith.constant 0 : i32
          %lt3A_152 = arith.cmpi slt, %select_n3A_145, %lt3A_151 : i32
          %ne3A_153 = arith.xori %lt3A_150, %lt3A_152 : i1
          %and3A_154 = arith.andi %ne3A_153, %ne3A_148 : i1
          %add3A_155 = arith.addi %rem3A_146, %select_n3A_145 : i32
          %select_n3A_156 = arith.select %and3A_154, %add3A_155, %rem3A_146 : i32
          %dma_wait3A_157 = arith.constant 0 : i32
          %dma_wait3A_158 = arith.constant 0 : i32
          %dma_wait3A_159 = tpu.memref_slice %arg10[%select_n3A_136, %dma_wait3A_157, %dma_wait3A_158] : memref<3x80x128xf32, #tpu.memory_space<vmem>> -> memref<1x80x128xf32, #tpu.memory_space<vmem>>
          %dma_wait3A_160 = tpu.memref_squeeze %dma_wait3A_159 : memref<1x80x128xf32, #tpu.memory_space<vmem>> -> memref<80x128xf32, #tpu.memory_space<vmem>>
          %dma_wait3A_161 = arith.constant 0 : i32
          %dma_wait3A_162 = tpu.memref_slice %arg9[%sub3A_138, %dma_wait3A_161] : memref<25x80xi32, #tpu.memory_space<vmem>> -> memref<1x80xi32, #tpu.memory_space<vmem>>
          %dma_wait3A_163 = tpu.memref_squeeze %dma_wait3A_162 : memref<1x80xi32, #tpu.memory_space<vmem>> -> memref<80xi32, #tpu.memory_space<vmem>>
          %dma_wait3A_164 = arith.constant 0 : i32
          %dma_wait3A_165 = arith.constant 0 : i32
          %dma_wait3A_166 = tpu.memref_slice %arg7[%dma_wait3A_164, %dma_wait3A_165] : memref<10000x128xf32, #tpu.memory_space<vmem_shared>> -> memref<10000x128xf32, #tpu.memory_space<vmem_shared>>
          %dma_wait3A_167 = tpu.memref_slice %arg12[%select_n3A_156] : memref<3x!tpu.dma_semaphore, #tpu.memory_space<semaphore_mem>> -> memref<1x!tpu.dma_semaphore, #tpu.memory_space<semaphore_mem>>
          %dma_wait3A_168 = tpu.memref_squeeze %dma_wait3A_167 : memref<1x!tpu.dma_semaphore, #tpu.memory_space<semaphore_mem>> -> memref<!tpu.dma_semaphore, #tpu.memory_space<semaphore_mem>>
          tpu.wait_indirect_dma semaphore(%dma_wait3A_168 : memref<!tpu.dma_semaphore, #tpu.memory_space<semaphore_mem>>) src(%dma_wait3A_160 : memref<80x128xf32, #tpu.memory_space<vmem>>) dst(%dma_wait3A_166 : memref<10000x128xf32, #tpu.memory_space<vmem_shared>>)
        } else {
        }
        %add3A_113 = arith.constant 2 : i32
        %add3A_114 = arith.addi %scan3A_73, %add3A_113 : i32
        %lt3A_115 = arith.constant 25 : i32
        %lt3A_116 = arith.cmpi slt, %add3A_114, %lt3A_115 : i32
        %convert_element_type3A_117 = arith.extui %lt3A_116 : i1 to i32
        %cond3A_118 = arith.constant 0 : i32
        %cond3A_119 = arith.cmpi ne, %convert_element_type3A_117, %cond3A_118 : i32
        scf.if %cond3A_119 {
          %add3A_120 = arith.constant 2 : i32
          %add3A_121 = arith.addi %scan3A_73, %add3A_120 : i32
          %add3A_122 = arith.constant 2 : i32
          %add3A_123 = arith.addi %scan3A_73, %add3A_122 : i32
          %jit3A_124 = arith.constant 3 : i32
          %eq3A_125 = arith.constant 0 : i32
          %eq3A_126 = arith.cmpi eq, %jit3A_124, %eq3A_125 : i32
          %jit3A_127 = arith.constant 1 : i32
          %select_n3A_128 = arith.select %eq3A_126, %jit3A_127, %jit3A_124 : i32
          %rem3A_129 = arith.remsi %add3A_123, %select_n3A_128 : i32
          %ne3A_130 = arith.constant 0 : i32
          %ne3A_131 = arith.cmpi ne, %rem3A_129, %ne3A_130 : i32
          %lt3A_132 = arith.constant 0 : i32
          %lt3A_133 = arith.cmpi slt, %rem3A_129, %lt3A_132 : i32
          %lt3A_134 = arith.constant 0 : i32
          %lt3A_135 = arith.cmpi slt, %select_n3A_128, %lt3A_134 : i32
          %ne3A_136 = arith.xori %lt3A_133, %lt3A_135 : i1
          %and3A_137 = arith.andi %ne3A_136, %ne3A_131 : i1
          %add3A_138 = arith.addi %rem3A_129, %select_n3A_128 : i32
          %select_n3A_139 = arith.select %and3A_137, %add3A_138, %rem3A_129 : i32
          %add3A_140 = arith.constant 2 : i32
          %add3A_141 = arith.addi %scan3A_73, %add3A_140 : i32
          %jit3A_142 = arith.constant 3 : i32
          %eq3A_143 = arith.constant 0 : i32
          %eq3A_144 = arith.cmpi eq, %jit3A_142, %eq3A_143 : i32
          %jit3A_145 = arith.constant 1 : i32
          %select_n3A_146 = arith.select %eq3A_144, %jit3A_145, %jit3A_142 : i32
          %rem3A_147 = arith.remsi %add3A_141, %select_n3A_146 : i32
          %ne3A_148 = arith.constant 0 : i32
          %ne3A_149 = arith.cmpi ne, %rem3A_147, %ne3A_148 : i32
          %lt3A_150 = arith.constant 0 : i32
          %lt3A_151 = arith.cmpi slt, %rem3A_147, %lt3A_150 : i32
          %lt3A_152 = arith.constant 0 : i32
          %lt3A_153 = arith.cmpi slt, %select_n3A_146, %lt3A_152 : i32
          %ne3A_154 = arith.xori %lt3A_151, %lt3A_153 : i1
          %and3A_155 = arith.andi %ne3A_154, %ne3A_149 : i1
          %add3A_156 = arith.addi %rem3A_147, %select_n3A_146 : i32
          %select_n3A_157 = arith.select %and3A_155, %add3A_156, %rem3A_147 : i32
          %dma_start3A_158 = arith.constant 0 : i32
          %dma_start3A_159 = arith.constant 0 : i32
          %dma_start3A_160 = tpu.memref_slice %arg10[%select_n3A_139, %dma_start3A_158, %dma_start3A_159] : memref<3x80x128xf32, #tpu.memory_space<vmem>> -> memref<1x80x128xf32, #tpu.memory_space<vmem>>
          %dma_start3A_161 = tpu.memref_squeeze %dma_start3A_160 : memref<1x80x128xf32, #tpu.memory_space<vmem>> -> memref<80x128xf32, #tpu.memory_space<vmem>>
          %dma_start3A_162 = arith.constant 0 : i32
          %dma_start3A_163 = tpu.memref_slice %arg8[%add3A_121, %dma_start3A_162] : memref<25x80xi32, #tpu.memory_space<vmem>> -> memref<1x80xi32, #tpu.memory_space<vmem>>
          %dma_start3A_164 = tpu.memref_squeeze %dma_start3A_163 : memref<1x80xi32, #tpu.memory_space<vmem>> -> memref<80xi32, #tpu.memory_space<vmem>>
          %dma_start3A_165 = arith.constant 0 : i32
          %dma_start3A_166 = arith.constant 0 : i32
          %dma_start3A_167 = tpu.memref_slice %arg2[%dma_start3A_165, %dma_start3A_166] : memref<10000x128xf32, #tpu.memory_space<hbm>> -> memref<10000x128xf32, #tpu.memory_space<hbm>>
          %dma_start3A_168 = tpu.memref_slice %arg11[%select_n3A_157] : memref<3x!tpu.dma_semaphore, #tpu.memory_space<semaphore_mem>> -> memref<1x!tpu.dma_semaphore, #tpu.memory_space<semaphore_mem>>
          %dma_start3A_169 = tpu.memref_squeeze %dma_start3A_168 : memref<1x!tpu.dma_semaphore, #tpu.memory_space<semaphore_mem>> -> memref<!tpu.dma_semaphore, #tpu.memory_space<semaphore_mem>>
          tpu.enqueue_indirect_dma source(%dma_start3A_167 : memref<10000x128xf32, #tpu.memory_space<hbm>>) target(%dma_start3A_161 : memref<80x128xf32, #tpu.memory_space<vmem>>) offsets(%dma_start3A_164 : memref<80xi32, #tpu.memory_space<vmem>>) semaphore(%dma_start3A_169 : memref<!tpu.dma_semaphore, #tpu.memory_space<semaphore_mem>>)
        } else {
        }
      }
      %scan3A_58 = arith.constant 25 : i32
      %dma_wait3A = arith.constant 0 : i32
      %dma_wait3A_59 = arith.constant 24 : i32
      %dma_wait3A_60 = arith.constant 0 : i32
      %dma_wait3A_61 = arith.constant 0 : i32
      %dma_wait3A_62 = arith.constant 0 : i32
      %dma_wait3A_63 = tpu.memref_slice %arg10[%dma_wait3A, %dma_wait3A_61, %dma_wait3A_62] : memref<3x80x128xf32, #tpu.memory_space<vmem>> -> memref<1x80x128xf32, #tpu.memory_space<vmem>>
      %dma_wait3A_64 = tpu.memref_squeeze %dma_wait3A_63 : memref<1x80x128xf32, #tpu.memory_space<vmem>> -> memref<80x128xf32, #tpu.memory_space<vmem>>
      %dma_wait3A_65 = arith.constant 0 : i32
      %dma_wait3A_66 = tpu.memref_slice %arg9[%dma_wait3A_59, %dma_wait3A_65] : memref<25x80xi32, #tpu.memory_space<vmem>> -> memref<1x80xi32, #tpu.memory_space<vmem>>
      %dma_wait3A_67 = tpu.memref_squeeze %dma_wait3A_66 : memref<1x80xi32, #tpu.memory_space<vmem>> -> memref<80xi32, #tpu.memory_space<vmem>>
      %dma_wait3A_68 = arith.constant 0 : i32
      %dma_wait3A_69 = arith.constant 0 : i32
      %dma_wait3A_70 = tpu.memref_slice %arg7[%dma_wait3A_68, %dma_wait3A_69] : memref<10000x128xf32, #tpu.memory_space<vmem_shared>> -> memref<10000x128xf32, #tpu.memory_space<vmem_shared>>
      %dma_wait3A_71 = tpu.memref_slice %arg12[%dma_wait3A_60] : memref<3x!tpu.dma_semaphore, #tpu.memory_space<semaphore_mem>> -> memref<1x!tpu.dma_semaphore, #tpu.memory_space<semaphore_mem>>
      %dma_wait3A_72 = tpu.memref_squeeze %dma_wait3A_71 : memref<1x!tpu.dma_semaphore, #tpu.memory_space<semaphore_mem>> -> memref<!tpu.dma_semaphore, #tpu.memory_space<semaphore_mem>>
      tpu.wait_indirect_dma semaphore(%dma_wait3A_72 : memref<!tpu.dma_semaphore, #tpu.memory_space<semaphore_mem>>) src(%dma_wait3A_64 : memref<80x128xf32, #tpu.memory_space<vmem>>) dst(%dma_wait3A_70 : memref<10000x128xf32, #tpu.memory_space<vmem_shared>>)
    }
    %scan3A_11 = arith.constant 5 : i32
    %barrier3A_12 = arith.constant 0 : index
    tpu.barrier barrier_id(%barrier3A_12)
    %lt3A_13 = arith.constant 15 : i32
    %lt3A_14 = arith.cmpi slt, %arg1, %lt3A_13 : i32
    %convert_element_type3A_15 = arith.extui %lt3A_14 : i1 to i32
    %cond3A_16 = arith.constant 0 : i32
    %cond3A_17 = arith.cmpi ne, %convert_element_type3A_15, %cond3A_16 : i32
    scf.if %cond3A_17 {
      %mul3A_23 = arith.constant 632 : i32
      %mul3A_24 = arith.muli %arg1, %mul3A_23 : i32
      %mul3A_25 = arith.constant 632 : i32
      %mul3A_26 = arith.muli %arg1, %mul3A_25 : i32
      "tpu.region"() ({
        %run_scoped3A = tpu.sem_alloc : memref<!tpu.dma_semaphore, #tpu.memory_space<semaphore_mem>>
        %dma_start3A = arith.constant 0 : i32
        %dma_start3A_27 = tpu.memref_slice %arg6[%arg0, %mul3A_26, %dma_start3A] : memref<2x10000x128xf32, #tpu.memory_space<hbm>> -> memref<1x632x128xf32, #tpu.memory_space<hbm>>
        %dma_start3A_28 = tpu.memref_squeeze %dma_start3A_27 : memref<1x632x128xf32, #tpu.memory_space<hbm>> -> memref<632x128xf32, #tpu.memory_space<hbm>>
        %dma_start3A_29 = arith.constant 0 : i32
        %dma_start3A_30 = tpu.memref_slice %arg7[%mul3A_24, %dma_start3A_29] : memref<10000x128xf32, #tpu.memory_space<vmem_shared>> -> memref<632x128xf32, #tpu.memory_space<vmem_shared>>
        tpu.enqueue_dma source(%dma_start3A_30 : memref<632x128xf32, #tpu.memory_space<vmem_shared>>) target(%dma_start3A_28 : memref<632x128xf32, #tpu.memory_space<hbm>>) target_semaphore(%run_scoped3A : memref<!tpu.dma_semaphore, #tpu.memory_space<semaphore_mem>>)
        %dma_wait3A = arith.constant 0 : i32
        %dma_wait3A_31 = tpu.memref_slice %arg6[%arg0, %mul3A_26, %dma_wait3A] : memref<2x10000x128xf32, #tpu.memory_space<hbm>> -> memref<1x632x128xf32, #tpu.memory_space<hbm>>
        %dma_wait3A_32 = tpu.memref_squeeze %dma_wait3A_31 : memref<1x632x128xf32, #tpu.memory_space<hbm>> -> memref<632x128xf32, #tpu.memory_space<hbm>>
        %dma_wait3A_33 = arith.constant 0 : i32
        %dma_wait3A_34 = tpu.memref_slice %arg7[%mul3A_24, %dma_wait3A_33] : memref<10000x128xf32, #tpu.memory_space<vmem_shared>> -> memref<632x128xf32, #tpu.memory_space<vmem_shared>>
        tpu.wait_dma2 semaphore(%run_scoped3A : memref<!tpu.dma_semaphore, #tpu.memory_space<semaphore_mem>>) src(%dma_wait3A_34 : memref<632x128xf32, #tpu.memory_space<vmem_shared>>) dst(%dma_wait3A_32 : memref<632x128xf32, #tpu.memory_space<hbm>>)
        tpu.yield
      }) : () -> ()
    } else {
    }
    %eq3A_18 = arith.constant 15 : i32
    %eq3A_19 = arith.cmpi eq, %arg1, %eq3A_18 : i32
    %convert_element_type3A_20 = arith.extui %eq3A_19 : i1 to i32
    %cond3A_21 = arith.constant 0 : i32
    %cond3A_22 = arith.cmpi ne, %convert_element_type3A_20, %cond3A_21 : i32
    scf.if %cond3A_22 {
      "tpu.region"() ({
        %run_scoped3A = tpu.sem_alloc : memref<!tpu.dma_semaphore, #tpu.memory_space<semaphore_mem>>
        %dma_start3A = arith.constant 9480 : i32
        %dma_start3A_23 = arith.constant 0 : i32
        %dma_start3A_24 = tpu.memref_slice %arg6[%arg0, %dma_start3A, %dma_start3A_23] : memref<2x10000x128xf32, #tpu.memory_space<hbm>> -> memref<1x520x128xf32, #tpu.memory_space<hbm>>
        %dma_start3A_25 = tpu.memref_squeeze %dma_start3A_24 : memref<1x520x128xf32, #tpu.memory_space<hbm>> -> memref<520x128xf32, #tpu.memory_space<hbm>>
        %dma_start3A_26 = arith.constant 9480 : i32
        %dma_start3A_27 = arith.constant 0 : i32
        %dma_start3A_28 = tpu.memref_slice %arg7[%dma_start3A_26, %dma_start3A_27] : memref<10000x128xf32, #tpu.memory_space<vmem_shared>> -> memref<520x128xf32, #tpu.memory_space<vmem_shared>>
        tpu.enqueue_dma source(%dma_start3A_28 : memref<520x128xf32, #tpu.memory_space<vmem_shared>>) target(%dma_start3A_25 : memref<520x128xf32, #tpu.memory_space<hbm>>) target_semaphore(%run_scoped3A : memref<!tpu.dma_semaphore, #tpu.memory_space<semaphore_mem>>)
        %dma_wait3A = arith.constant 9480 : i32
        %dma_wait3A_29 = arith.constant 0 : i32
        %dma_wait3A_30 = tpu.memref_slice %arg6[%arg0, %dma_wait3A, %dma_wait3A_29] : memref<2x10000x128xf32, #tpu.memory_space<hbm>> -> memref<1x520x128xf32, #tpu.memory_space<hbm>>
        %dma_wait3A_31 = tpu.memref_squeeze %dma_wait3A_30 : memref<1x520x128xf32, #tpu.memory_space<hbm>> -> memref<520x128xf32, #tpu.memory_space<hbm>>
        %dma_wait3A_32 = arith.constant 9480 : i32
        %dma_wait3A_33 = arith.constant 0 : i32
        %dma_wait3A_34 = tpu.memref_slice %arg7[%dma_wait3A_32, %dma_wait3A_33] : memref<10000x128xf32, #tpu.memory_space<vmem_shared>> -> memref<520x128xf32, #tpu.memory_space<vmem_shared>>
        tpu.wait_dma2 semaphore(%run_scoped3A : memref<!tpu.dma_semaphore, #tpu.memory_space<semaphore_mem>>) src(%dma_wait3A_34 : memref<520x128xf32, #tpu.memory_space<vmem_shared>>) dst(%dma_wait3A_31 : memref<520x128xf32, #tpu.memory_space<hbm>>)
        tpu.yield
      }) : () -> ()
    } else {
    }
    return
  }
}

#map = affine_map<(d0, d1) -> (0, 0)>
#map1 = affine_map<(d0, d1) -> (0, 0, 0, 0)>
#map2 = affine_map<(d0, d1) -> (0, 0, 0)>
module attributes {stable_mosaic.version = 14 : i64} {
  func.func @_scatter_spmem(%arg0: i32, %arg1: i32, %arg2: memref<10000x64xf32, #tpu.memory_space<hbm>>, %arg3: memref<32x5x25x80xi32, #tpu.memory_space<hbm>>, %arg4: memref<32x5x25x80xi32, #tpu.memory_space<hbm>>, %arg5: memref<632x64xf32, #tpu.memory_space<hbm>>, %arg6: memref<2x10000x64xf32, #tpu.memory_space<hbm>>, %arg7: memref<10000x64xf32, #tpu.memory_space<vmem_shared>>, %arg8: memref<10000x64xf32, #tpu.memory_space<vmem_shared>>, %arg9: memref<25x80xi32, #tpu.memory_space<vmem>>, %arg10: memref<25x80xi32, #tpu.memory_space<vmem>>, %arg11: memref<3x80x64xf32, #tpu.memory_space<vmem>>, %arg12: memref<3x!tpu.dma_semaphore, #tpu.memory_space<semaphore_mem>>, %arg13: memref<3x!tpu.dma_semaphore, #tpu.memory_space<semaphore_mem>>) attributes {dimension_semantics = [#tpu.dimension_semantics<core_parallel>, #tpu.dimension_semantics<subcore_parallel>], iteration_bounds = array<i64: 2, 16>, scalar_prefetch = 0 : i64, scratch_operands = 7 : i64, tpu.core_type = #tpu.core_type<sc_vector_subcore>, window_params = [{transform_indices = #map}, {transform_indices = #map1}, {transform_indices = #map1}, {transform_indices = #map}, {transform_indices = #map2}]} {
    %mul3A = arith.constant 2 : i32
    %mul3A_0 = arith.muli %arg1, %mul3A : i32
    %add3A = arith.addi %mul3A_0, %arg0 : i32
    %lt3A = arith.constant 15 : i32
    %lt3A_1 = arith.cmpi slt, %arg1, %lt3A : i32
    %convert_element_type3A = arith.extui %lt3A_1 : i1 to i32
    %cond3A = arith.constant 0 : i32
    %cond3A_2 = arith.cmpi ne, %convert_element_type3A, %cond3A : i32
    scf.if %cond3A_2 {
      %mul3A_33 = arith.constant 632 : i32
      %mul3A_34 = arith.muli %arg1, %mul3A_33 : i32
      "tpu.region"() ({
        %run_scoped3A = tpu.sem_alloc : memref<!tpu.dma_semaphore, #tpu.memory_space<semaphore_mem>>
        %dma_start3A = arith.constant 0 : i32
        %dma_start3A_35 = tpu.memref_slice %arg8[%mul3A_34, %dma_start3A] : memref<10000x64xf32, #tpu.memory_space<vmem_shared>> -> memref<632x64xf32, #tpu.memory_space<vmem_shared>>
        tpu.enqueue_dma source(%arg5 : memref<632x64xf32, #tpu.memory_space<hbm>>) target(%dma_start3A_35 : memref<632x64xf32, #tpu.memory_space<vmem_shared>>) target_semaphore(%run_scoped3A : memref<!tpu.dma_semaphore, #tpu.memory_space<semaphore_mem>>)
        %dma_wait3A = arith.constant 0 : i32
        %dma_wait3A_36 = tpu.memref_slice %arg8[%mul3A_34, %dma_wait3A] : memref<10000x64xf32, #tpu.memory_space<vmem_shared>> -> memref<632x64xf32, #tpu.memory_space<vmem_shared>>
        tpu.wait_dma2 semaphore(%run_scoped3A : memref<!tpu.dma_semaphore, #tpu.memory_space<semaphore_mem>>) src(%arg5 : memref<632x64xf32, #tpu.memory_space<hbm>>) dst(%dma_wait3A_36 : memref<632x64xf32, #tpu.memory_space<vmem_shared>>)
        tpu.yield
      }) : () -> ()
    } else {
    }
    %eq3A = arith.constant 15 : i32
    %eq3A_3 = arith.cmpi eq, %arg1, %eq3A : i32
    %convert_element_type3A_4 = arith.extui %eq3A_3 : i1 to i32
    %cond3A_5 = arith.constant 0 : i32
    %cond3A_6 = arith.cmpi ne, %convert_element_type3A_4, %cond3A_5 : i32
    scf.if %cond3A_6 {
      "tpu.region"() ({
        %run_scoped3A = tpu.sem_alloc : memref<!tpu.dma_semaphore, #tpu.memory_space<semaphore_mem>>
        %dma_start3A = arith.constant 9480 : i32
        %dma_start3A_33 = arith.constant 0 : i32
        %dma_start3A_34 = tpu.memref_slice %arg8[%dma_start3A, %dma_start3A_33] : memref<10000x64xf32, #tpu.memory_space<vmem_shared>> -> memref<520x64xf32, #tpu.memory_space<vmem_shared>>
        %dma_start3A_35 = arith.constant 0 : i32
        %dma_start3A_36 = arith.constant 0 : i32
        %dma_start3A_37 = tpu.memref_slice %arg5[%dma_start3A_35, %dma_start3A_36] : memref<632x64xf32, #tpu.memory_space<hbm>> -> memref<520x64xf32, #tpu.memory_space<hbm>>
        tpu.enqueue_dma source(%dma_start3A_37 : memref<520x64xf32, #tpu.memory_space<hbm>>) target(%dma_start3A_34 : memref<520x64xf32, #tpu.memory_space<vmem_shared>>) target_semaphore(%run_scoped3A : memref<!tpu.dma_semaphore, #tpu.memory_space<semaphore_mem>>)
        %dma_wait3A = arith.constant 9480 : i32
        %dma_wait3A_38 = arith.constant 0 : i32
        %dma_wait3A_39 = tpu.memref_slice %arg8[%dma_wait3A, %dma_wait3A_38] : memref<10000x64xf32, #tpu.memory_space<vmem_shared>> -> memref<520x64xf32, #tpu.memory_space<vmem_shared>>
        %dma_wait3A_40 = arith.constant 0 : i32
        %dma_wait3A_41 = arith.constant 0 : i32
        %dma_wait3A_42 = tpu.memref_slice %arg5[%dma_wait3A_40, %dma_wait3A_41] : memref<632x64xf32, #tpu.memory_space<hbm>> -> memref<520x64xf32, #tpu.memory_space<hbm>>
        tpu.wait_dma2 semaphore(%run_scoped3A : memref<!tpu.dma_semaphore, #tpu.memory_space<semaphore_mem>>) src(%dma_wait3A_42 : memref<520x64xf32, #tpu.memory_space<hbm>>) dst(%dma_wait3A_39 : memref<520x64xf32, #tpu.memory_space<vmem_shared>>)
        tpu.yield
      }) : () -> ()
    } else {
    }
    %lt3A_7 = arith.constant 15 : i32
    %lt3A_8 = arith.cmpi slt, %arg1, %lt3A_7 : i32
    %convert_element_type3A_9 = arith.extui %lt3A_8 : i1 to i32
    %cond3A_10 = arith.constant 0 : i32
    %cond3A_11 = arith.cmpi ne, %convert_element_type3A_9, %cond3A_10 : i32
    scf.if %cond3A_11 {
      %mul3A_33 = arith.constant 632 : i32
      %mul3A_34 = arith.muli %arg1, %mul3A_33 : i32
      %mul3A_35 = arith.constant 632 : i32
      %mul3A_36 = arith.muli %arg1, %mul3A_35 : i32
      "tpu.region"() ({
        %run_scoped3A = tpu.sem_alloc : memref<!tpu.dma_semaphore, #tpu.memory_space<semaphore_mem>>
        %dma_start3A = arith.constant 0 : i32
        %dma_start3A_37 = tpu.memref_slice %arg7[%mul3A_36, %dma_start3A] : memref<10000x64xf32, #tpu.memory_space<vmem_shared>> -> memref<632x64xf32, #tpu.memory_space<vmem_shared>>
        %dma_start3A_38 = arith.constant 0 : i32
        %dma_start3A_39 = tpu.memref_slice %arg2[%mul3A_34, %dma_start3A_38] : memref<10000x64xf32, #tpu.memory_space<hbm>> -> memref<632x64xf32, #tpu.memory_space<hbm>>
        tpu.enqueue_dma source(%dma_start3A_39 : memref<632x64xf32, #tpu.memory_space<hbm>>) target(%dma_start3A_37 : memref<632x64xf32, #tpu.memory_space<vmem_shared>>) target_semaphore(%run_scoped3A : memref<!tpu.dma_semaphore, #tpu.memory_space<semaphore_mem>>)
        %dma_wait3A = arith.constant 0 : i32
        %dma_wait3A_40 = tpu.memref_slice %arg7[%mul3A_36, %dma_wait3A] : memref<10000x64xf32, #tpu.memory_space<vmem_shared>> -> memref<632x64xf32, #tpu.memory_space<vmem_shared>>
        %dma_wait3A_41 = arith.constant 0 : i32
        %dma_wait3A_42 = tpu.memref_slice %arg2[%mul3A_34, %dma_wait3A_41] : memref<10000x64xf32, #tpu.memory_space<hbm>> -> memref<632x64xf32, #tpu.memory_space<hbm>>
        tpu.wait_dma2 semaphore(%run_scoped3A : memref<!tpu.dma_semaphore, #tpu.memory_space<semaphore_mem>>) src(%dma_wait3A_42 : memref<632x64xf32, #tpu.memory_space<hbm>>) dst(%dma_wait3A_40 : memref<632x64xf32, #tpu.memory_space<vmem_shared>>)
        tpu.yield
      }) : () -> ()
    } else {
    }
    %eq3A_12 = arith.constant 15 : i32
    %eq3A_13 = arith.cmpi eq, %arg1, %eq3A_12 : i32
    %convert_element_type3A_14 = arith.extui %eq3A_13 : i1 to i32
    %cond3A_15 = arith.constant 0 : i32
    %cond3A_16 = arith.cmpi ne, %convert_element_type3A_14, %cond3A_15 : i32
    scf.if %cond3A_16 {
      "tpu.region"() ({
        %run_scoped3A = tpu.sem_alloc : memref<!tpu.dma_semaphore, #tpu.memory_space<semaphore_mem>>
        %dma_start3A = arith.constant 9480 : i32
        %dma_start3A_33 = arith.constant 0 : i32
        %dma_start3A_34 = tpu.memref_slice %arg7[%dma_start3A, %dma_start3A_33] : memref<10000x64xf32, #tpu.memory_space<vmem_shared>> -> memref<520x64xf32, #tpu.memory_space<vmem_shared>>
        %dma_start3A_35 = arith.constant 9480 : i32
        %dma_start3A_36 = arith.constant 0 : i32
        %dma_start3A_37 = tpu.memref_slice %arg2[%dma_start3A_35, %dma_start3A_36] : memref<10000x64xf32, #tpu.memory_space<hbm>> -> memref<520x64xf32, #tpu.memory_space<hbm>>
        tpu.enqueue_dma source(%dma_start3A_37 : memref<520x64xf32, #tpu.memory_space<hbm>>) target(%dma_start3A_34 : memref<520x64xf32, #tpu.memory_space<vmem_shared>>) target_semaphore(%run_scoped3A : memref<!tpu.dma_semaphore, #tpu.memory_space<semaphore_mem>>)
        %dma_wait3A = arith.constant 9480 : i32
        %dma_wait3A_38 = arith.constant 0 : i32
        %dma_wait3A_39 = tpu.memref_slice %arg7[%dma_wait3A, %dma_wait3A_38] : memref<10000x64xf32, #tpu.memory_space<vmem_shared>> -> memref<520x64xf32, #tpu.memory_space<vmem_shared>>
        %dma_wait3A_40 = arith.constant 9480 : i32
        %dma_wait3A_41 = arith.constant 0 : i32
        %dma_wait3A_42 = tpu.memref_slice %arg2[%dma_wait3A_40, %dma_wait3A_41] : memref<10000x64xf32, #tpu.memory_space<hbm>> -> memref<520x64xf32, #tpu.memory_space<hbm>>
        tpu.wait_dma2 semaphore(%run_scoped3A : memref<!tpu.dma_semaphore, #tpu.memory_space<semaphore_mem>>) src(%dma_wait3A_42 : memref<520x64xf32, #tpu.memory_space<hbm>>) dst(%dma_wait3A_39 : memref<520x64xf32, #tpu.memory_space<vmem_shared>>)
        tpu.yield
      }) : () -> ()
    } else {
    }
    %barrier3A = arith.constant 0 : index
    tpu.barrier barrier_id(%barrier3A)
    %scan3A = arith.constant 0 : i32
    %scan3A_17 = arith.constant 0 : i32
    %scan3A_18 = arith.constant 5 : i32
    %scan3A_19 = arith.addi %scan3A_17, %scan3A_18 : i32
    %scan3A_20 = arith.constant 1 : i32
    scf.for %scan3A_33 = %scan3A_17 to %scan3A_19 step %scan3A_20  : i32 {
      "tpu.region"() ({
        %run_scoped3A = tpu.sem_alloc : memref<!tpu.dma_semaphore, #tpu.memory_space<semaphore_mem>>
        %dma_start3A_83 = arith.constant 0 : i32
        %dma_start3A_84 = arith.constant 0 : i32
        %dma_start3A_85 = tpu.memref_slice %arg3[%add3A, %scan3A_33, %dma_start3A_83, %dma_start3A_84] : memref<32x5x25x80xi32, #tpu.memory_space<hbm>> -> memref<1x1x25x80xi32, #tpu.memory_space<hbm>>
        %dma_start3A_86 = tpu.memref_squeeze %dma_start3A_85 : memref<1x1x25x80xi32, #tpu.memory_space<hbm>> -> memref<25x80xi32, #tpu.memory_space<hbm>>
        %dma_start3A_87 = arith.constant 0 : i32
        %dma_start3A_88 = arith.constant 0 : i32
        %dma_start3A_89 = tpu.memref_slice %arg3[%add3A, %scan3A_33, %dma_start3A_87, %dma_start3A_88] : memref<32x5x25x80xi32, #tpu.memory_space<hbm>> -> memref<1x1x25x80xi32, #tpu.memory_space<hbm>>
        %dma_start3A_90 = tpu.memref_squeeze %dma_start3A_89 : memref<1x1x25x80xi32, #tpu.memory_space<hbm>> -> memref<25x80xi32, #tpu.memory_space<hbm>>
        tpu.enqueue_dma source(%dma_start3A_90 : memref<25x80xi32, #tpu.memory_space<hbm>>) target(%arg9 : memref<25x80xi32, #tpu.memory_space<vmem>>) target_semaphore(%run_scoped3A : memref<!tpu.dma_semaphore, #tpu.memory_space<semaphore_mem>>)
        %dma_wait3A_91 = arith.constant 0 : i32
        %dma_wait3A_92 = arith.constant 0 : i32
        %dma_wait3A_93 = tpu.memref_slice %arg3[%add3A, %scan3A_33, %dma_wait3A_91, %dma_wait3A_92] : memref<32x5x25x80xi32, #tpu.memory_space<hbm>> -> memref<1x1x25x80xi32, #tpu.memory_space<hbm>>
        %dma_wait3A_94 = tpu.memref_squeeze %dma_wait3A_93 : memref<1x1x25x80xi32, #tpu.memory_space<hbm>> -> memref<25x80xi32, #tpu.memory_space<hbm>>
        %dma_wait3A_95 = arith.constant 0 : i32
        %dma_wait3A_96 = arith.constant 0 : i32
        %dma_wait3A_97 = tpu.memref_slice %arg3[%add3A, %scan3A_33, %dma_wait3A_95, %dma_wait3A_96] : memref<32x5x25x80xi32, #tpu.memory_space<hbm>> -> memref<1x1x25x80xi32, #tpu.memory_space<hbm>>
        %dma_wait3A_98 = tpu.memref_squeeze %dma_wait3A_97 : memref<1x1x25x80xi32, #tpu.memory_space<hbm>> -> memref<25x80xi32, #tpu.memory_space<hbm>>
        tpu.wait_dma2 semaphore(%run_scoped3A : memref<!tpu.dma_semaphore, #tpu.memory_space<semaphore_mem>>) src(%dma_wait3A_98 : memref<25x80xi32, #tpu.memory_space<hbm>>) dst(%arg9 : memref<25x80xi32, #tpu.memory_space<vmem>>)
        tpu.yield
      }) : () -> ()
      "tpu.region"() ({
        %run_scoped3A = tpu.sem_alloc : memref<!tpu.dma_semaphore, #tpu.memory_space<semaphore_mem>>
        %dma_start3A_83 = arith.constant 0 : i32
        %dma_start3A_84 = arith.constant 0 : i32
        %dma_start3A_85 = tpu.memref_slice %arg4[%add3A, %scan3A_33, %dma_start3A_83, %dma_start3A_84] : memref<32x5x25x80xi32, #tpu.memory_space<hbm>> -> memref<1x1x25x80xi32, #tpu.memory_space<hbm>>
        %dma_start3A_86 = tpu.memref_squeeze %dma_start3A_85 : memref<1x1x25x80xi32, #tpu.memory_space<hbm>> -> memref<25x80xi32, #tpu.memory_space<hbm>>
        %dma_start3A_87 = arith.constant 0 : i32
        %dma_start3A_88 = arith.constant 0 : i32
        %dma_start3A_89 = tpu.memref_slice %arg4[%add3A, %scan3A_33, %dma_start3A_87, %dma_start3A_88] : memref<32x5x25x80xi32, #tpu.memory_space<hbm>> -> memref<1x1x25x80xi32, #tpu.memory_space<hbm>>
        %dma_start3A_90 = tpu.memref_squeeze %dma_start3A_89 : memref<1x1x25x80xi32, #tpu.memory_space<hbm>> -> memref<25x80xi32, #tpu.memory_space<hbm>>
        tpu.enqueue_dma source(%dma_start3A_90 : memref<25x80xi32, #tpu.memory_space<hbm>>) target(%arg10 : memref<25x80xi32, #tpu.memory_space<vmem>>) target_semaphore(%run_scoped3A : memref<!tpu.dma_semaphore, #tpu.memory_space<semaphore_mem>>)
        %dma_wait3A_91 = arith.constant 0 : i32
        %dma_wait3A_92 = arith.constant 0 : i32
        %dma_wait3A_93 = tpu.memref_slice %arg4[%add3A, %scan3A_33, %dma_wait3A_91, %dma_wait3A_92] : memref<32x5x25x80xi32, #tpu.memory_space<hbm>> -> memref<1x1x25x80xi32, #tpu.memory_space<hbm>>
        %dma_wait3A_94 = tpu.memref_squeeze %dma_wait3A_93 : memref<1x1x25x80xi32, #tpu.memory_space<hbm>> -> memref<25x80xi32, #tpu.memory_space<hbm>>
        %dma_wait3A_95 = arith.constant 0 : i32
        %dma_wait3A_96 = arith.constant 0 : i32
        %dma_wait3A_97 = tpu.memref_slice %arg4[%add3A, %scan3A_33, %dma_wait3A_95, %dma_wait3A_96] : memref<32x5x25x80xi32, #tpu.memory_space<hbm>> -> memref<1x1x25x80xi32, #tpu.memory_space<hbm>>
        %dma_wait3A_98 = tpu.memref_squeeze %dma_wait3A_97 : memref<1x1x25x80xi32, #tpu.memory_space<hbm>> -> memref<25x80xi32, #tpu.memory_space<hbm>>
        tpu.wait_dma2 semaphore(%run_scoped3A : memref<!tpu.dma_semaphore, #tpu.memory_space<semaphore_mem>>) src(%dma_wait3A_98 : memref<25x80xi32, #tpu.memory_space<hbm>>) dst(%arg10 : memref<25x80xi32, #tpu.memory_space<vmem>>)
        tpu.yield
      }) : () -> ()
      %dma_start3A = arith.constant 0 : i32
      %dma_start3A_34 = arith.constant 0 : i32
      %dma_start3A_35 = arith.constant 0 : i32
      %dma_start3A_36 = arith.constant 0 : i32
      %dma_start3A_37 = arith.constant 0 : i32
      %dma_start3A_38 = tpu.memref_slice %arg11[%dma_start3A_34, %dma_start3A_36, %dma_start3A_37] : memref<3x80x64xf32, #tpu.memory_space<vmem>> -> memref<1x80x64xf32, #tpu.memory_space<vmem>>
      %dma_start3A_39 = tpu.memref_squeeze %dma_start3A_38 : memref<1x80x64xf32, #tpu.memory_space<vmem>> -> memref<80x64xf32, #tpu.memory_space<vmem>>
      %dma_start3A_40 = arith.constant 0 : i32
      %dma_start3A_41 = tpu.memref_slice %arg9[%dma_start3A, %dma_start3A_40] : memref<25x80xi32, #tpu.memory_space<vmem>> -> memref<1x80xi32, #tpu.memory_space<vmem>>
      %dma_start3A_42 = tpu.memref_squeeze %dma_start3A_41 : memref<1x80xi32, #tpu.memory_space<vmem>> -> memref<80xi32, #tpu.memory_space<vmem>>
      %dma_start3A_43 = arith.constant 0 : i32
      %dma_start3A_44 = arith.constant 0 : i32
      %dma_start3A_45 = tpu.memref_slice %arg7[%dma_start3A_43, %dma_start3A_44] : memref<10000x64xf32, #tpu.memory_space<vmem_shared>> -> memref<10000x64xf32, #tpu.memory_space<vmem_shared>>
      %dma_start3A_46 = tpu.memref_slice %arg12[%dma_start3A_35] : memref<3x!tpu.dma_semaphore, #tpu.memory_space<semaphore_mem>> -> memref<1x!tpu.dma_semaphore, #tpu.memory_space<semaphore_mem>>
      %dma_start3A_47 = tpu.memref_squeeze %dma_start3A_46 : memref<1x!tpu.dma_semaphore, #tpu.memory_space<semaphore_mem>> -> memref<!tpu.dma_semaphore, #tpu.memory_space<semaphore_mem>>
      tpu.enqueue_indirect_dma source(%dma_start3A_45 : memref<10000x64xf32, #tpu.memory_space<vmem_shared>>) target(%dma_start3A_39 : memref<80x64xf32, #tpu.memory_space<vmem>>) offsets(%dma_start3A_42 : memref<80xi32, #tpu.memory_space<vmem>>) semaphore(%dma_start3A_47 : memref<!tpu.dma_semaphore, #tpu.memory_space<semaphore_mem>>)
      %dma_start3A_48 = arith.constant 1 : i32
      %dma_start3A_49 = arith.constant 1 : i32
      %dma_start3A_50 = arith.constant 1 : i32
      %dma_start3A_51 = arith.constant 0 : i32
      %dma_start3A_52 = arith.constant 0 : i32
      %dma_start3A_53 = tpu.memref_slice %arg11[%dma_start3A_49, %dma_start3A_51, %dma_start3A_52] : memref<3x80x64xf32, #tpu.memory_space<vmem>> -> memref<1x80x64xf32, #tpu.memory_space<vmem>>
      %dma_start3A_54 = tpu.memref_squeeze %dma_start3A_53 : memref<1x80x64xf32, #tpu.memory_space<vmem>> -> memref<80x64xf32, #tpu.memory_space<vmem>>
      %dma_start3A_55 = arith.constant 0 : i32
      %dma_start3A_56 = tpu.memref_slice %arg9[%dma_start3A_48, %dma_start3A_55] : memref<25x80xi32, #tpu.memory_space<vmem>> -> memref<1x80xi32, #tpu.memory_space<vmem>>
      %dma_start3A_57 = tpu.memref_squeeze %dma_start3A_56 : memref<1x80xi32, #tpu.memory_space<vmem>> -> memref<80xi32, #tpu.memory_space<vmem>>
      %dma_start3A_58 = arith.constant 0 : i32
      %dma_start3A_59 = arith.constant 0 : i32
      %dma_start3A_60 = tpu.memref_slice %arg7[%dma_start3A_58, %dma_start3A_59] : memref<10000x64xf32, #tpu.memory_space<vmem_shared>> -> memref<10000x64xf32, #tpu.memory_space<vmem_shared>>
      %dma_start3A_61 = tpu.memref_slice %arg12[%dma_start3A_50] : memref<3x!tpu.dma_semaphore, #tpu.memory_space<semaphore_mem>> -> memref<1x!tpu.dma_semaphore, #tpu.memory_space<semaphore_mem>>
      %dma_start3A_62 = tpu.memref_squeeze %dma_start3A_61 : memref<1x!tpu.dma_semaphore, #tpu.memory_space<semaphore_mem>> -> memref<!tpu.dma_semaphore, #tpu.memory_space<semaphore_mem>>
      tpu.enqueue_indirect_dma source(%dma_start3A_60 : memref<10000x64xf32, #tpu.memory_space<vmem_shared>>) target(%dma_start3A_54 : memref<80x64xf32, #tpu.memory_space<vmem>>) offsets(%dma_start3A_57 : memref<80xi32, #tpu.memory_space<vmem>>) semaphore(%dma_start3A_62 : memref<!tpu.dma_semaphore, #tpu.memory_space<semaphore_mem>>)
      %scan3A_63 = arith.constant 0 : i32
      %scan3A_64 = arith.constant 0 : i32
      %scan3A_65 = arith.constant 25 : i32
      %scan3A_66 = arith.addi %scan3A_64, %scan3A_65 : i32
      %scan3A_67 = arith.constant 1 : i32
      scf.for %scan3A_83 = %scan3A_64 to %scan3A_66 step %scan3A_67  : i32 {
        %jit3A = arith.constant 3 : i32
        %eq3A_84 = arith.constant 0 : i32
        %eq3A_85 = arith.cmpi eq, %jit3A, %eq3A_84 : i32
        %jit3A_86 = arith.constant 1 : i32
        %select_n3A = arith.select %eq3A_85, %jit3A_86, %jit3A : i32
        %rem3A = arith.remsi %scan3A_83, %select_n3A : i32
        %ne3A = arith.constant 0 : i32
        %ne3A_87 = arith.cmpi ne, %rem3A, %ne3A : i32
        %lt3A_88 = arith.constant 0 : i32
        %lt3A_89 = arith.cmpi slt, %rem3A, %lt3A_88 : i32
        %lt3A_90 = arith.constant 0 : i32
        %lt3A_91 = arith.cmpi slt, %select_n3A, %lt3A_90 : i32
        %ne3A_92 = arith.xori %lt3A_89, %lt3A_91 : i1
        %and3A = arith.andi %ne3A_92, %ne3A_87 : i1
        %add3A_93 = arith.addi %rem3A, %select_n3A : i32
        %select_n3A_94 = arith.select %and3A, %add3A_93, %rem3A : i32
        %dma_wait3A_95 = arith.constant 0 : i32
        %dma_wait3A_96 = arith.constant 0 : i32
        %dma_wait3A_97 = tpu.memref_slice %arg11[%select_n3A_94, %dma_wait3A_95, %dma_wait3A_96] : memref<3x80x64xf32, #tpu.memory_space<vmem>> -> memref<1x80x64xf32, #tpu.memory_space<vmem>>
        %dma_wait3A_98 = tpu.memref_squeeze %dma_wait3A_97 : memref<1x80x64xf32, #tpu.memory_space<vmem>> -> memref<80x64xf32, #tpu.memory_space<vmem>>
        %dma_wait3A_99 = arith.constant 0 : i32
        %dma_wait3A_100 = tpu.memref_slice %arg9[%scan3A_83, %dma_wait3A_99] : memref<25x80xi32, #tpu.memory_space<vmem>> -> memref<1x80xi32, #tpu.memory_space<vmem>>
        %dma_wait3A_101 = tpu.memref_squeeze %dma_wait3A_100 : memref<1x80xi32, #tpu.memory_space<vmem>> -> memref<80xi32, #tpu.memory_space<vmem>>
        %dma_wait3A_102 = arith.constant 0 : i32
        %dma_wait3A_103 = arith.constant 0 : i32
        %dma_wait3A_104 = tpu.memref_slice %arg7[%dma_wait3A_102, %dma_wait3A_103] : memref<10000x64xf32, #tpu.memory_space<vmem_shared>> -> memref<10000x64xf32, #tpu.memory_space<vmem_shared>>
        %dma_wait3A_105 = tpu.memref_slice %arg12[%select_n3A_94] : memref<3x!tpu.dma_semaphore, #tpu.memory_space<semaphore_mem>> -> memref<1x!tpu.dma_semaphore, #tpu.memory_space<semaphore_mem>>
        %dma_wait3A_106 = tpu.memref_squeeze %dma_wait3A_105 : memref<1x!tpu.dma_semaphore, #tpu.memory_space<semaphore_mem>> -> memref<!tpu.dma_semaphore, #tpu.memory_space<semaphore_mem>>
        tpu.wait_indirect_dma semaphore(%dma_wait3A_106 : memref<!tpu.dma_semaphore, #tpu.memory_space<semaphore_mem>>) src(%dma_wait3A_104 : memref<10000x64xf32, #tpu.memory_space<vmem_shared>>) dst(%dma_wait3A_98 : memref<80x64xf32, #tpu.memory_space<vmem>>)
        %dma_start3A_107 = arith.constant 0 : i32
        %dma_start3A_108 = arith.constant 0 : i32
        %dma_start3A_109 = tpu.memref_slice %arg11[%select_n3A_94, %dma_start3A_107, %dma_start3A_108] : memref<3x80x64xf32, #tpu.memory_space<vmem>> -> memref<1x80x64xf32, #tpu.memory_space<vmem>>
        %dma_start3A_110 = tpu.memref_squeeze %dma_start3A_109 : memref<1x80x64xf32, #tpu.memory_space<vmem>> -> memref<80x64xf32, #tpu.memory_space<vmem>>
        %dma_start3A_111 = arith.constant 0 : i32
        %dma_start3A_112 = tpu.memref_slice %arg10[%scan3A_83, %dma_start3A_111] : memref<25x80xi32, #tpu.memory_space<vmem>> -> memref<1x80xi32, #tpu.memory_space<vmem>>
        %dma_start3A_113 = tpu.memref_squeeze %dma_start3A_112 : memref<1x80xi32, #tpu.memory_space<vmem>> -> memref<80xi32, #tpu.memory_space<vmem>>
        %dma_start3A_114 = arith.constant 0 : i32
        %dma_start3A_115 = arith.constant 0 : i32
        %dma_start3A_116 = tpu.memref_slice %arg8[%dma_start3A_114, %dma_start3A_115] : memref<10000x64xf32, #tpu.memory_space<vmem_shared>> -> memref<10000x64xf32, #tpu.memory_space<vmem_shared>>
        %dma_start3A_117 = tpu.memref_slice %arg13[%select_n3A_94] : memref<3x!tpu.dma_semaphore, #tpu.memory_space<semaphore_mem>> -> memref<1x!tpu.dma_semaphore, #tpu.memory_space<semaphore_mem>>
        %dma_start3A_118 = tpu.memref_squeeze %dma_start3A_117 : memref<1x!tpu.dma_semaphore, #tpu.memory_space<semaphore_mem>> -> memref<!tpu.dma_semaphore, #tpu.memory_space<semaphore_mem>>
        tpu.enqueue_indirect_dma source(%dma_start3A_110 : memref<80x64xf32, #tpu.memory_space<vmem>>) target(%dma_start3A_116 : memref<10000x64xf32, #tpu.memory_space<vmem_shared>>) offsets(%dma_start3A_113 : memref<80xi32, #tpu.memory_space<vmem>>) semaphore(%dma_start3A_118 : memref<!tpu.dma_semaphore, #tpu.memory_space<semaphore_mem>>) {add = true}
        %ge3A = arith.constant 1 : i32
        %ge3A_119 = arith.cmpi sge, %scan3A_83, %ge3A : i32
        %convert_element_type3A_120 = arith.extui %ge3A_119 : i1 to i32
        %cond3A_121 = arith.constant 0 : i32
        %cond3A_122 = arith.cmpi ne, %convert_element_type3A_120, %cond3A_121 : i32
        scf.if %cond3A_122 {
          %sub3A = arith.constant 1 : i32
          %sub3A_130 = arith.subi %scan3A_83, %sub3A : i32
          %jit3A_131 = arith.constant 3 : i32
          %eq3A_132 = arith.constant 0 : i32
          %eq3A_133 = arith.cmpi eq, %jit3A_131, %eq3A_132 : i32
          %jit3A_134 = arith.constant 1 : i32
          %select_n3A_135 = arith.select %eq3A_133, %jit3A_134, %jit3A_131 : i32
          %rem3A_136 = arith.remsi %sub3A_130, %select_n3A_135 : i32
          %ne3A_137 = arith.constant 0 : i32
          %ne3A_138 = arith.cmpi ne, %rem3A_136, %ne3A_137 : i32
          %lt3A_139 = arith.constant 0 : i32
          %lt3A_140 = arith.cmpi slt, %rem3A_136, %lt3A_139 : i32
          %lt3A_141 = arith.constant 0 : i32
          %lt3A_142 = arith.cmpi slt, %select_n3A_135, %lt3A_141 : i32
          %ne3A_143 = arith.xori %lt3A_140, %lt3A_142 : i1
          %and3A_144 = arith.andi %ne3A_143, %ne3A_138 : i1
          %add3A_145 = arith.addi %rem3A_136, %select_n3A_135 : i32
          %select_n3A_146 = arith.select %and3A_144, %add3A_145, %rem3A_136 : i32
          %sub3A_147 = arith.constant 1 : i32
          %sub3A_148 = arith.subi %scan3A_83, %sub3A_147 : i32
          %sub3A_149 = arith.constant 1 : i32
          %sub3A_150 = arith.subi %scan3A_83, %sub3A_149 : i32
          %jit3A_151 = arith.constant 3 : i32
          %eq3A_152 = arith.constant 0 : i32
          %eq3A_153 = arith.cmpi eq, %jit3A_151, %eq3A_152 : i32
          %jit3A_154 = arith.constant 1 : i32
          %select_n3A_155 = arith.select %eq3A_153, %jit3A_154, %jit3A_151 : i32
          %rem3A_156 = arith.remsi %sub3A_150, %select_n3A_155 : i32
          %ne3A_157 = arith.constant 0 : i32
          %ne3A_158 = arith.cmpi ne, %rem3A_156, %ne3A_157 : i32
          %lt3A_159 = arith.constant 0 : i32
          %lt3A_160 = arith.cmpi slt, %rem3A_156, %lt3A_159 : i32
          %lt3A_161 = arith.constant 0 : i32
          %lt3A_162 = arith.cmpi slt, %select_n3A_155, %lt3A_161 : i32
          %ne3A_163 = arith.xori %lt3A_160, %lt3A_162 : i1
          %and3A_164 = arith.andi %ne3A_163, %ne3A_158 : i1
          %add3A_165 = arith.addi %rem3A_156, %select_n3A_155 : i32
          %select_n3A_166 = arith.select %and3A_164, %add3A_165, %rem3A_156 : i32
          %dma_wait3A_167 = arith.constant 0 : i32
          %dma_wait3A_168 = arith.constant 0 : i32
          %dma_wait3A_169 = tpu.memref_slice %arg11[%select_n3A_146, %dma_wait3A_167, %dma_wait3A_168] : memref<3x80x64xf32, #tpu.memory_space<vmem>> -> memref<1x80x64xf32, #tpu.memory_space<vmem>>
          %dma_wait3A_170 = tpu.memref_squeeze %dma_wait3A_169 : memref<1x80x64xf32, #tpu.memory_space<vmem>> -> memref<80x64xf32, #tpu.memory_space<vmem>>
          %dma_wait3A_171 = arith.constant 0 : i32
          %dma_wait3A_172 = tpu.memref_slice %arg10[%sub3A_148, %dma_wait3A_171] : memref<25x80xi32, #tpu.memory_space<vmem>> -> memref<1x80xi32, #tpu.memory_space<vmem>>
          %dma_wait3A_173 = tpu.memref_squeeze %dma_wait3A_172 : memref<1x80xi32, #tpu.memory_space<vmem>> -> memref<80xi32, #tpu.memory_space<vmem>>
          %dma_wait3A_174 = arith.constant 0 : i32
          %dma_wait3A_175 = arith.constant 0 : i32
          %dma_wait3A_176 = tpu.memref_slice %arg8[%dma_wait3A_174, %dma_wait3A_175] : memref<10000x64xf32, #tpu.memory_space<vmem_shared>> -> memref<10000x64xf32, #tpu.memory_space<vmem_shared>>
          %dma_wait3A_177 = tpu.memref_slice %arg13[%select_n3A_166] : memref<3x!tpu.dma_semaphore, #tpu.memory_space<semaphore_mem>> -> memref<1x!tpu.dma_semaphore, #tpu.memory_space<semaphore_mem>>
          %dma_wait3A_178 = tpu.memref_squeeze %dma_wait3A_177 : memref<1x!tpu.dma_semaphore, #tpu.memory_space<semaphore_mem>> -> memref<!tpu.dma_semaphore, #tpu.memory_space<semaphore_mem>>
          tpu.wait_indirect_dma semaphore(%dma_wait3A_178 : memref<!tpu.dma_semaphore, #tpu.memory_space<semaphore_mem>>) src(%dma_wait3A_170 : memref<80x64xf32, #tpu.memory_space<vmem>>) dst(%dma_wait3A_176 : memref<10000x64xf32, #tpu.memory_space<vmem_shared>>)
        } else {
        }
        %add3A_123 = arith.constant 2 : i32
        %add3A_124 = arith.addi %scan3A_83, %add3A_123 : i32
        %lt3A_125 = arith.constant 25 : i32
        %lt3A_126 = arith.cmpi slt, %add3A_124, %lt3A_125 : i32
        %convert_element_type3A_127 = arith.extui %lt3A_126 : i1 to i32
        %cond3A_128 = arith.constant 0 : i32
        %cond3A_129 = arith.cmpi ne, %convert_element_type3A_127, %cond3A_128 : i32
        scf.if %cond3A_129 {
          %add3A_130 = arith.constant 2 : i32
          %add3A_131 = arith.addi %scan3A_83, %add3A_130 : i32
          %add3A_132 = arith.constant 2 : i32
          %add3A_133 = arith.addi %scan3A_83, %add3A_132 : i32
          %jit3A_134 = arith.constant 3 : i32
          %eq3A_135 = arith.constant 0 : i32
          %eq3A_136 = arith.cmpi eq, %jit3A_134, %eq3A_135 : i32
          %jit3A_137 = arith.constant 1 : i32
          %select_n3A_138 = arith.select %eq3A_136, %jit3A_137, %jit3A_134 : i32
          %rem3A_139 = arith.remsi %add3A_133, %select_n3A_138 : i32
          %ne3A_140 = arith.constant 0 : i32
          %ne3A_141 = arith.cmpi ne, %rem3A_139, %ne3A_140 : i32
          %lt3A_142 = arith.constant 0 : i32
          %lt3A_143 = arith.cmpi slt, %rem3A_139, %lt3A_142 : i32
          %lt3A_144 = arith.constant 0 : i32
          %lt3A_145 = arith.cmpi slt, %select_n3A_138, %lt3A_144 : i32
          %ne3A_146 = arith.xori %lt3A_143, %lt3A_145 : i1
          %and3A_147 = arith.andi %ne3A_146, %ne3A_141 : i1
          %add3A_148 = arith.addi %rem3A_139, %select_n3A_138 : i32
          %select_n3A_149 = arith.select %and3A_147, %add3A_148, %rem3A_139 : i32
          %add3A_150 = arith.constant 2 : i32
          %add3A_151 = arith.addi %scan3A_83, %add3A_150 : i32
          %jit3A_152 = arith.constant 3 : i32
          %eq3A_153 = arith.constant 0 : i32
          %eq3A_154 = arith.cmpi eq, %jit3A_152, %eq3A_153 : i32
          %jit3A_155 = arith.constant 1 : i32
          %select_n3A_156 = arith.select %eq3A_154, %jit3A_155, %jit3A_152 : i32
          %rem3A_157 = arith.remsi %add3A_151, %select_n3A_156 : i32
          %ne3A_158 = arith.constant 0 : i32
          %ne3A_159 = arith.cmpi ne, %rem3A_157, %ne3A_158 : i32
          %lt3A_160 = arith.constant 0 : i32
          %lt3A_161 = arith.cmpi slt, %rem3A_157, %lt3A_160 : i32
          %lt3A_162 = arith.constant 0 : i32
          %lt3A_163 = arith.cmpi slt, %select_n3A_156, %lt3A_162 : i32
          %ne3A_164 = arith.xori %lt3A_161, %lt3A_163 : i1
          %and3A_165 = arith.andi %ne3A_164, %ne3A_159 : i1
          %add3A_166 = arith.addi %rem3A_157, %select_n3A_156 : i32
          %select_n3A_167 = arith.select %and3A_165, %add3A_166, %rem3A_157 : i32
          %dma_start3A_168 = arith.constant 0 : i32
          %dma_start3A_169 = arith.constant 0 : i32
          %dma_start3A_170 = tpu.memref_slice %arg11[%select_n3A_149, %dma_start3A_168, %dma_start3A_169] : memref<3x80x64xf32, #tpu.memory_space<vmem>> -> memref<1x80x64xf32, #tpu.memory_space<vmem>>
          %dma_start3A_171 = tpu.memref_squeeze %dma_start3A_170 : memref<1x80x64xf32, #tpu.memory_space<vmem>> -> memref<80x64xf32, #tpu.memory_space<vmem>>
          %dma_start3A_172 = arith.constant 0 : i32
          %dma_start3A_173 = tpu.memref_slice %arg9[%add3A_131, %dma_start3A_172] : memref<25x80xi32, #tpu.memory_space<vmem>> -> memref<1x80xi32, #tpu.memory_space<vmem>>
          %dma_start3A_174 = tpu.memref_squeeze %dma_start3A_173 : memref<1x80xi32, #tpu.memory_space<vmem>> -> memref<80xi32, #tpu.memory_space<vmem>>
          %dma_start3A_175 = arith.constant 0 : i32
          %dma_start3A_176 = arith.constant 0 : i32
          %dma_start3A_177 = tpu.memref_slice %arg7[%dma_start3A_175, %dma_start3A_176] : memref<10000x64xf32, #tpu.memory_space<vmem_shared>> -> memref<10000x64xf32, #tpu.memory_space<vmem_shared>>
          %dma_start3A_178 = tpu.memref_slice %arg12[%select_n3A_167] : memref<3x!tpu.dma_semaphore, #tpu.memory_space<semaphore_mem>> -> memref<1x!tpu.dma_semaphore, #tpu.memory_space<semaphore_mem>>
          %dma_start3A_179 = tpu.memref_squeeze %dma_start3A_178 : memref<1x!tpu.dma_semaphore, #tpu.memory_space<semaphore_mem>> -> memref<!tpu.dma_semaphore, #tpu.memory_space<semaphore_mem>>
          tpu.enqueue_indirect_dma source(%dma_start3A_177 : memref<10000x64xf32, #tpu.memory_space<vmem_shared>>) target(%dma_start3A_171 : memref<80x64xf32, #tpu.memory_space<vmem>>) offsets(%dma_start3A_174 : memref<80xi32, #tpu.memory_space<vmem>>) semaphore(%dma_start3A_179 : memref<!tpu.dma_semaphore, #tpu.memory_space<semaphore_mem>>)
        } else {
        }
      }
      %scan3A_68 = arith.constant 25 : i32
      %dma_wait3A = arith.constant 0 : i32
      %dma_wait3A_69 = arith.constant 24 : i32
      %dma_wait3A_70 = arith.constant 0 : i32
      %dma_wait3A_71 = arith.constant 0 : i32
      %dma_wait3A_72 = arith.constant 0 : i32
      %dma_wait3A_73 = tpu.memref_slice %arg11[%dma_wait3A, %dma_wait3A_71, %dma_wait3A_72] : memref<3x80x64xf32, #tpu.memory_space<vmem>> -> memref<1x80x64xf32, #tpu.memory_space<vmem>>
      %dma_wait3A_74 = tpu.memref_squeeze %dma_wait3A_73 : memref<1x80x64xf32, #tpu.memory_space<vmem>> -> memref<80x64xf32, #tpu.memory_space<vmem>>
      %dma_wait3A_75 = arith.constant 0 : i32
      %dma_wait3A_76 = tpu.memref_slice %arg10[%dma_wait3A_69, %dma_wait3A_75] : memref<25x80xi32, #tpu.memory_space<vmem>> -> memref<1x80xi32, #tpu.memory_space<vmem>>
      %dma_wait3A_77 = tpu.memref_squeeze %dma_wait3A_76 : memref<1x80xi32, #tpu.memory_space<vmem>> -> memref<80xi32, #tpu.memory_space<vmem>>
      %dma_wait3A_78 = arith.constant 0 : i32
      %dma_wait3A_79 = arith.constant 0 : i32
      %dma_wait3A_80 = tpu.memref_slice %arg8[%dma_wait3A_78, %dma_wait3A_79] : memref<10000x64xf32, #tpu.memory_space<vmem_shared>> -> memref<10000x64xf32, #tpu.memory_space<vmem_shared>>
      %dma_wait3A_81 = tpu.memref_slice %arg13[%dma_wait3A_70] : memref<3x!tpu.dma_semaphore, #tpu.memory_space<semaphore_mem>> -> memref<1x!tpu.dma_semaphore, #tpu.memory_space<semaphore_mem>>
      %dma_wait3A_82 = tpu.memref_squeeze %dma_wait3A_81 : memref<1x!tpu.dma_semaphore, #tpu.memory_space<semaphore_mem>> -> memref<!tpu.dma_semaphore, #tpu.memory_space<semaphore_mem>>
      tpu.wait_indirect_dma semaphore(%dma_wait3A_82 : memref<!tpu.dma_semaphore, #tpu.memory_space<semaphore_mem>>) src(%dma_wait3A_74 : memref<80x64xf32, #tpu.memory_space<vmem>>) dst(%dma_wait3A_80 : memref<10000x64xf32, #tpu.memory_space<vmem_shared>>)
    }
    %scan3A_21 = arith.constant 5 : i32
    %barrier3A_22 = arith.constant 0 : index
    tpu.barrier barrier_id(%barrier3A_22)
    %lt3A_23 = arith.constant 15 : i32
    %lt3A_24 = arith.cmpi slt, %arg1, %lt3A_23 : i32
    %convert_element_type3A_25 = arith.extui %lt3A_24 : i1 to i32
    %cond3A_26 = arith.constant 0 : i32
    %cond3A_27 = arith.cmpi ne, %convert_element_type3A_25, %cond3A_26 : i32
    scf.if %cond3A_27 {
      %mul3A_33 = arith.constant 632 : i32
      %mul3A_34 = arith.muli %arg1, %mul3A_33 : i32
      %mul3A_35 = arith.constant 632 : i32
      %mul3A_36 = arith.muli %arg1, %mul3A_35 : i32
      "tpu.region"() ({
        %run_scoped3A = tpu.sem_alloc : memref<!tpu.dma_semaphore, #tpu.memory_space<semaphore_mem>>
        %dma_start3A = arith.constant 0 : i32
        %dma_start3A_37 = tpu.memref_slice %arg6[%arg0, %mul3A_36, %dma_start3A] : memref<2x10000x64xf32, #tpu.memory_space<hbm>> -> memref<1x632x64xf32, #tpu.memory_space<hbm>>
        %dma_start3A_38 = tpu.memref_squeeze %dma_start3A_37 : memref<1x632x64xf32, #tpu.memory_space<hbm>> -> memref<632x64xf32, #tpu.memory_space<hbm>>
        %dma_start3A_39 = arith.constant 0 : i32
        %dma_start3A_40 = tpu.memref_slice %arg8[%mul3A_34, %dma_start3A_39] : memref<10000x64xf32, #tpu.memory_space<vmem_shared>> -> memref<632x64xf32, #tpu.memory_space<vmem_shared>>
        tpu.enqueue_dma source(%dma_start3A_40 : memref<632x64xf32, #tpu.memory_space<vmem_shared>>) target(%dma_start3A_38 : memref<632x64xf32, #tpu.memory_space<hbm>>) target_semaphore(%run_scoped3A : memref<!tpu.dma_semaphore, #tpu.memory_space<semaphore_mem>>)
        %dma_wait3A = arith.constant 0 : i32
        %dma_wait3A_41 = tpu.memref_slice %arg6[%arg0, %mul3A_36, %dma_wait3A] : memref<2x10000x64xf32, #tpu.memory_space<hbm>> -> memref<1x632x64xf32, #tpu.memory_space<hbm>>
        %dma_wait3A_42 = tpu.memref_squeeze %dma_wait3A_41 : memref<1x632x64xf32, #tpu.memory_space<hbm>> -> memref<632x64xf32, #tpu.memory_space<hbm>>
        %dma_wait3A_43 = arith.constant 0 : i32
        %dma_wait3A_44 = tpu.memref_slice %arg8[%mul3A_34, %dma_wait3A_43] : memref<10000x64xf32, #tpu.memory_space<vmem_shared>> -> memref<632x64xf32, #tpu.memory_space<vmem_shared>>
        tpu.wait_dma2 semaphore(%run_scoped3A : memref<!tpu.dma_semaphore, #tpu.memory_space<semaphore_mem>>) src(%dma_wait3A_44 : memref<632x64xf32, #tpu.memory_space<vmem_shared>>) dst(%dma_wait3A_42 : memref<632x64xf32, #tpu.memory_space<hbm>>)
        tpu.yield
      }) : () -> ()
    } else {
    }
    %eq3A_28 = arith.constant 15 : i32
    %eq3A_29 = arith.cmpi eq, %arg1, %eq3A_28 : i32
    %convert_element_type3A_30 = arith.extui %eq3A_29 : i1 to i32
    %cond3A_31 = arith.constant 0 : i32
    %cond3A_32 = arith.cmpi ne, %convert_element_type3A_30, %cond3A_31 : i32
    scf.if %cond3A_32 {
      "tpu.region"() ({
        %run_scoped3A = tpu.sem_alloc : memref<!tpu.dma_semaphore, #tpu.memory_space<semaphore_mem>>
        %dma_start3A = arith.constant 9480 : i32
        %dma_start3A_33 = arith.constant 0 : i32
        %dma_start3A_34 = tpu.memref_slice %arg6[%arg0, %dma_start3A, %dma_start3A_33] : memref<2x10000x64xf32, #tpu.memory_space<hbm>> -> memref<1x520x64xf32, #tpu.memory_space<hbm>>
        %dma_start3A_35 = tpu.memref_squeeze %dma_start3A_34 : memref<1x520x64xf32, #tpu.memory_space<hbm>> -> memref<520x64xf32, #tpu.memory_space<hbm>>
        %dma_start3A_36 = arith.constant 9480 : i32
        %dma_start3A_37 = arith.constant 0 : i32
        %dma_start3A_38 = tpu.memref_slice %arg8[%dma_start3A_36, %dma_start3A_37] : memref<10000x64xf32, #tpu.memory_space<vmem_shared>> -> memref<520x64xf32, #tpu.memory_space<vmem_shared>>
        tpu.enqueue_dma source(%dma_start3A_38 : memref<520x64xf32, #tpu.memory_space<vmem_shared>>) target(%dma_start3A_35 : memref<520x64xf32, #tpu.memory_space<hbm>>) target_semaphore(%run_scoped3A : memref<!tpu.dma_semaphore, #tpu.memory_space<semaphore_mem>>)
        %dma_wait3A = arith.constant 9480 : i32
        %dma_wait3A_39 = arith.constant 0 : i32
        %dma_wait3A_40 = tpu.memref_slice %arg6[%arg0, %dma_wait3A, %dma_wait3A_39] : memref<2x10000x64xf32, #tpu.memory_space<hbm>> -> memref<1x520x64xf32, #tpu.memory_space<hbm>>
        %dma_wait3A_41 = tpu.memref_squeeze %dma_wait3A_40 : memref<1x520x64xf32, #tpu.memory_space<hbm>> -> memref<520x64xf32, #tpu.memory_space<hbm>>
        %dma_wait3A_42 = arith.constant 9480 : i32
        %dma_wait3A_43 = arith.constant 0 : i32
        %dma_wait3A_44 = tpu.memref_slice %arg8[%dma_wait3A_42, %dma_wait3A_43] : memref<10000x64xf32, #tpu.memory_space<vmem_shared>> -> memref<520x64xf32, #tpu.memory_space<vmem_shared>>
        tpu.wait_dma2 semaphore(%run_scoped3A : memref<!tpu.dma_semaphore, #tpu.memory_space<semaphore_mem>>) src(%dma_wait3A_44 : memref<520x64xf32, #tpu.memory_space<vmem_shared>>) dst(%dma_wait3A_41 : memref<520x64xf32, #tpu.memory_space<hbm>>)
        tpu.yield
      }) : () -> ()
    } else {
    }
    return
  }
}

#map = affine_map<(d0, d1) -> (0, 0, 0)>
#map1 = affine_map<(d0, d1) -> (0, 0)>
module attributes {stable_mosaic.version = 14 : i64} {
  func.func @_deg_kernel(%arg0: i32, %arg1: i32, %arg2: memref<32x125x80xi32, #tpu.memory_space<hbm>>, %arg3: memref<80x16xf32, #tpu.memory_space<hbm>>, %arg4: memref<632x16xf32, #tpu.memory_space<hbm>>, %arg5: memref<2x10000x16xf32, #tpu.memory_space<hbm>>, %arg6: memref<10000x16xf32, #tpu.memory_space<vmem_shared>>, %arg7: memref<80x16xf32, #tpu.memory_space<vmem>>, %arg8: memref<125x80xi32, #tpu.memory_space<vmem>>, %arg9: memref<!tpu.dma_semaphore, #tpu.memory_space<semaphore_mem>>) attributes {dimension_semantics = [#tpu.dimension_semantics<core_parallel>, #tpu.dimension_semantics<subcore_parallel>], iteration_bounds = array<i64: 2, 16>, scalar_prefetch = 0 : i64, scratch_operands = 4 : i64, tpu.core_type = #tpu.core_type<sc_vector_subcore>, window_params = [{transform_indices = #map}, {transform_indices = #map1}, {transform_indices = #map1}, {transform_indices = #map}]} {
    %mul3A = arith.constant 2 : i32
    %mul3A_0 = arith.muli %arg1, %mul3A : i32
    %add3A = arith.addi %mul3A_0, %arg0 : i32
    %lt3A = arith.constant 15 : i32
    %lt3A_1 = arith.cmpi slt, %arg1, %lt3A : i32
    %convert_element_type3A = arith.extui %lt3A_1 : i1 to i32
    %cond3A = arith.constant 0 : i32
    %cond3A_2 = arith.cmpi ne, %convert_element_type3A, %cond3A : i32
    scf.if %cond3A_2 {
      %mul3A_29 = arith.constant 632 : i32
      %mul3A_30 = arith.muli %arg1, %mul3A_29 : i32
      "tpu.region"() ({
        %run_scoped3A = tpu.sem_alloc : memref<!tpu.dma_semaphore, #tpu.memory_space<semaphore_mem>>
        %dma_start3A = arith.constant 0 : i32
        %dma_start3A_31 = tpu.memref_slice %arg6[%mul3A_30, %dma_start3A] : memref<10000x16xf32, #tpu.memory_space<vmem_shared>> -> memref<632x16xf32, #tpu.memory_space<vmem_shared>>
        tpu.enqueue_dma source(%arg4 : memref<632x16xf32, #tpu.memory_space<hbm>>) target(%dma_start3A_31 : memref<632x16xf32, #tpu.memory_space<vmem_shared>>) target_semaphore(%run_scoped3A : memref<!tpu.dma_semaphore, #tpu.memory_space<semaphore_mem>>)
        %dma_wait3A = arith.constant 0 : i32
        %dma_wait3A_32 = tpu.memref_slice %arg6[%mul3A_30, %dma_wait3A] : memref<10000x16xf32, #tpu.memory_space<vmem_shared>> -> memref<632x16xf32, #tpu.memory_space<vmem_shared>>
        tpu.wait_dma2 semaphore(%run_scoped3A : memref<!tpu.dma_semaphore, #tpu.memory_space<semaphore_mem>>) src(%arg4 : memref<632x16xf32, #tpu.memory_space<hbm>>) dst(%dma_wait3A_32 : memref<632x16xf32, #tpu.memory_space<vmem_shared>>)
        tpu.yield
      }) : () -> ()
    } else {
    }
    %eq3A = arith.constant 15 : i32
    %eq3A_3 = arith.cmpi eq, %arg1, %eq3A : i32
    %convert_element_type3A_4 = arith.extui %eq3A_3 : i1 to i32
    %cond3A_5 = arith.constant 0 : i32
    %cond3A_6 = arith.cmpi ne, %convert_element_type3A_4, %cond3A_5 : i32
    scf.if %cond3A_6 {
      "tpu.region"() ({
        %run_scoped3A = tpu.sem_alloc : memref<!tpu.dma_semaphore, #tpu.memory_space<semaphore_mem>>
        %dma_start3A = arith.constant 9480 : i32
        %dma_start3A_29 = arith.constant 0 : i32
        %dma_start3A_30 = tpu.memref_slice %arg6[%dma_start3A, %dma_start3A_29] : memref<10000x16xf32, #tpu.memory_space<vmem_shared>> -> memref<520x16xf32, #tpu.memory_space<vmem_shared>>
        %dma_start3A_31 = arith.constant 0 : i32
        %dma_start3A_32 = arith.constant 0 : i32
        %dma_start3A_33 = tpu.memref_slice %arg4[%dma_start3A_31, %dma_start3A_32] : memref<632x16xf32, #tpu.memory_space<hbm>> -> memref<520x16xf32, #tpu.memory_space<hbm>>
        tpu.enqueue_dma source(%dma_start3A_33 : memref<520x16xf32, #tpu.memory_space<hbm>>) target(%dma_start3A_30 : memref<520x16xf32, #tpu.memory_space<vmem_shared>>) target_semaphore(%run_scoped3A : memref<!tpu.dma_semaphore, #tpu.memory_space<semaphore_mem>>)
        %dma_wait3A = arith.constant 9480 : i32
        %dma_wait3A_34 = arith.constant 0 : i32
        %dma_wait3A_35 = tpu.memref_slice %arg6[%dma_wait3A, %dma_wait3A_34] : memref<10000x16xf32, #tpu.memory_space<vmem_shared>> -> memref<520x16xf32, #tpu.memory_space<vmem_shared>>
        %dma_wait3A_36 = arith.constant 0 : i32
        %dma_wait3A_37 = arith.constant 0 : i32
        %dma_wait3A_38 = tpu.memref_slice %arg4[%dma_wait3A_36, %dma_wait3A_37] : memref<632x16xf32, #tpu.memory_space<hbm>> -> memref<520x16xf32, #tpu.memory_space<hbm>>
        tpu.wait_dma2 semaphore(%run_scoped3A : memref<!tpu.dma_semaphore, #tpu.memory_space<semaphore_mem>>) src(%dma_wait3A_38 : memref<520x16xf32, #tpu.memory_space<hbm>>) dst(%dma_wait3A_35 : memref<520x16xf32, #tpu.memory_space<vmem_shared>>)
        tpu.yield
      }) : () -> ()
    } else {
    }
    "tpu.region"() ({
      %run_scoped3A = tpu.sem_alloc : memref<!tpu.dma_semaphore, #tpu.memory_space<semaphore_mem>>
      tpu.enqueue_dma source(%arg3 : memref<80x16xf32, #tpu.memory_space<hbm>>) target(%arg7 : memref<80x16xf32, #tpu.memory_space<vmem>>) target_semaphore(%run_scoped3A : memref<!tpu.dma_semaphore, #tpu.memory_space<semaphore_mem>>)
      tpu.wait_dma2 semaphore(%run_scoped3A : memref<!tpu.dma_semaphore, #tpu.memory_space<semaphore_mem>>) src(%arg3 : memref<80x16xf32, #tpu.memory_space<hbm>>) dst(%arg7 : memref<80x16xf32, #tpu.memory_space<vmem>>)
      tpu.yield
    }) : () -> ()
    "tpu.region"() ({
      %run_scoped3A = tpu.sem_alloc : memref<!tpu.dma_semaphore, #tpu.memory_space<semaphore_mem>>
      %dma_start3A = arith.constant 0 : i32
      %dma_start3A_29 = arith.constant 0 : i32
      %dma_start3A_30 = tpu.memref_slice %arg2[%add3A, %dma_start3A, %dma_start3A_29] : memref<32x125x80xi32, #tpu.memory_space<hbm>> -> memref<1x125x80xi32, #tpu.memory_space<hbm>>
      %dma_start3A_31 = tpu.memref_squeeze %dma_start3A_30 : memref<1x125x80xi32, #tpu.memory_space<hbm>> -> memref<125x80xi32, #tpu.memory_space<hbm>>
      %dma_start3A_32 = arith.constant 0 : i32
      %dma_start3A_33 = arith.constant 0 : i32
      %dma_start3A_34 = tpu.memref_slice %arg2[%add3A, %dma_start3A_32, %dma_start3A_33] : memref<32x125x80xi32, #tpu.memory_space<hbm>> -> memref<1x125x80xi32, #tpu.memory_space<hbm>>
      %dma_start3A_35 = tpu.memref_squeeze %dma_start3A_34 : memref<1x125x80xi32, #tpu.memory_space<hbm>> -> memref<125x80xi32, #tpu.memory_space<hbm>>
      tpu.enqueue_dma source(%dma_start3A_35 : memref<125x80xi32, #tpu.memory_space<hbm>>) target(%arg8 : memref<125x80xi32, #tpu.memory_space<vmem>>) target_semaphore(%run_scoped3A : memref<!tpu.dma_semaphore, #tpu.memory_space<semaphore_mem>>)
      %dma_wait3A = arith.constant 0 : i32
      %dma_wait3A_36 = arith.constant 0 : i32
      %dma_wait3A_37 = tpu.memref_slice %arg2[%add3A, %dma_wait3A, %dma_wait3A_36] : memref<32x125x80xi32, #tpu.memory_space<hbm>> -> memref<1x125x80xi32, #tpu.memory_space<hbm>>
      %dma_wait3A_38 = tpu.memref_squeeze %dma_wait3A_37 : memref<1x125x80xi32, #tpu.memory_space<hbm>> -> memref<125x80xi32, #tpu.memory_space<hbm>>
      %dma_wait3A_39 = arith.constant 0 : i32
      %dma_wait3A_40 = arith.constant 0 : i32
      %dma_wait3A_41 = tpu.memref_slice %arg2[%add3A, %dma_wait3A_39, %dma_wait3A_40] : memref<32x125x80xi32, #tpu.memory_space<hbm>> -> memref<1x125x80xi32, #tpu.memory_space<hbm>>
      %dma_wait3A_42 = tpu.memref_squeeze %dma_wait3A_41 : memref<1x125x80xi32, #tpu.memory_space<hbm>> -> memref<125x80xi32, #tpu.memory_space<hbm>>
      tpu.wait_dma2 semaphore(%run_scoped3A : memref<!tpu.dma_semaphore, #tpu.memory_space<semaphore_mem>>) src(%dma_wait3A_42 : memref<125x80xi32, #tpu.memory_space<hbm>>) dst(%arg8 : memref<125x80xi32, #tpu.memory_space<vmem>>)
      tpu.yield
    }) : () -> ()
    %barrier3A = arith.constant 0 : index
    tpu.barrier barrier_id(%barrier3A)
    %scan3A = arith.constant 0 : i32
    %scan3A_7 = arith.constant 0 : i32
    %scan3A_8 = arith.constant 125 : i32
    %scan3A_9 = arith.addi %scan3A_7, %scan3A_8 : i32
    %scan3A_10 = arith.constant 1 : i32
    scf.for %scan3A_29 = %scan3A_7 to %scan3A_9 step %scan3A_10  : i32 {
      %dma_start3A = arith.constant 0 : i32
      %dma_start3A_30 = tpu.memref_slice %arg8[%scan3A_29, %dma_start3A] : memref<125x80xi32, #tpu.memory_space<vmem>> -> memref<1x80xi32, #tpu.memory_space<vmem>>
      %dma_start3A_31 = tpu.memref_squeeze %dma_start3A_30 : memref<1x80xi32, #tpu.memory_space<vmem>> -> memref<80xi32, #tpu.memory_space<vmem>>
      %dma_start3A_32 = arith.constant 0 : i32
      %dma_start3A_33 = arith.constant 0 : i32
      %dma_start3A_34 = tpu.memref_slice %arg6[%dma_start3A_32, %dma_start3A_33] : memref<10000x16xf32, #tpu.memory_space<vmem_shared>> -> memref<10000x16xf32, #tpu.memory_space<vmem_shared>>
      tpu.enqueue_indirect_dma source(%arg7 : memref<80x16xf32, #tpu.memory_space<vmem>>) target(%dma_start3A_34 : memref<10000x16xf32, #tpu.memory_space<vmem_shared>>) offsets(%dma_start3A_31 : memref<80xi32, #tpu.memory_space<vmem>>) semaphore(%arg9 : memref<!tpu.dma_semaphore, #tpu.memory_space<semaphore_mem>>) {add = true}
      %ge3A = arith.constant 8 : i32
      %ge3A_35 = arith.cmpi sge, %scan3A_29, %ge3A : i32
      %convert_element_type3A_36 = arith.extui %ge3A_35 : i1 to i32
      %cond3A_37 = arith.constant 0 : i32
      %cond3A_38 = arith.cmpi ne, %convert_element_type3A_36, %cond3A_37 : i32
      scf.if %cond3A_38 {
        %sub3A = arith.constant 8 : i32
        %sub3A_39 = arith.subi %scan3A_29, %sub3A : i32
        %dma_wait3A = arith.constant 0 : i32
        %dma_wait3A_40 = tpu.memref_slice %arg8[%sub3A_39, %dma_wait3A] : memref<125x80xi32, #tpu.memory_space<vmem>> -> memref<1x80xi32, #tpu.memory_space<vmem>>
        %dma_wait3A_41 = tpu.memref_squeeze %dma_wait3A_40 : memref<1x80xi32, #tpu.memory_space<vmem>> -> memref<80xi32, #tpu.memory_space<vmem>>
        %dma_wait3A_42 = arith.constant 0 : i32
        %dma_wait3A_43 = arith.constant 0 : i32
        %dma_wait3A_44 = tpu.memref_slice %arg6[%dma_wait3A_42, %dma_wait3A_43] : memref<10000x16xf32, #tpu.memory_space<vmem_shared>> -> memref<10000x16xf32, #tpu.memory_space<vmem_shared>>
        tpu.wait_indirect_dma semaphore(%arg9 : memref<!tpu.dma_semaphore, #tpu.memory_space<semaphore_mem>>) src(%arg7 : memref<80x16xf32, #tpu.memory_space<vmem>>) dst(%dma_wait3A_44 : memref<10000x16xf32, #tpu.memory_space<vmem_shared>>)
      } else {
      }
    }
    %scan3A_11 = arith.constant 125 : i32
    %scan3A_12 = arith.constant 0 : i32
    %scan3A_13 = arith.constant 117 : i32
    %scan3A_14 = arith.constant 8 : i32
    %scan3A_15 = arith.addi %scan3A_13, %scan3A_14 : i32
    %scan3A_16 = arith.constant 1 : i32
    scf.for %scan3A_29 = %scan3A_13 to %scan3A_15 step %scan3A_16  : i32 {
      %dma_wait3A = arith.constant 0 : i32
      %dma_wait3A_30 = tpu.memref_slice %arg8[%scan3A_29, %dma_wait3A] : memref<125x80xi32, #tpu.memory_space<vmem>> -> memref<1x80xi32, #tpu.memory_space<vmem>>
      %dma_wait3A_31 = tpu.memref_squeeze %dma_wait3A_30 : memref<1x80xi32, #tpu.memory_space<vmem>> -> memref<80xi32, #tpu.memory_space<vmem>>
      %dma_wait3A_32 = arith.constant 0 : i32
      %dma_wait3A_33 = arith.constant 0 : i32
      %dma_wait3A_34 = tpu.memref_slice %arg6[%dma_wait3A_32, %dma_wait3A_33] : memref<10000x16xf32, #tpu.memory_space<vmem_shared>> -> memref<10000x16xf32, #tpu.memory_space<vmem_shared>>
      tpu.wait_indirect_dma semaphore(%arg9 : memref<!tpu.dma_semaphore, #tpu.memory_space<semaphore_mem>>) src(%arg7 : memref<80x16xf32, #tpu.memory_space<vmem>>) dst(%dma_wait3A_34 : memref<10000x16xf32, #tpu.memory_space<vmem_shared>>)
    }
    %scan3A_17 = arith.constant 8 : i32
    %barrier3A_18 = arith.constant 0 : index
    tpu.barrier barrier_id(%barrier3A_18)
    %lt3A_19 = arith.constant 15 : i32
    %lt3A_20 = arith.cmpi slt, %arg1, %lt3A_19 : i32
    %convert_element_type3A_21 = arith.extui %lt3A_20 : i1 to i32
    %cond3A_22 = arith.constant 0 : i32
    %cond3A_23 = arith.cmpi ne, %convert_element_type3A_21, %cond3A_22 : i32
    scf.if %cond3A_23 {
      %mul3A_29 = arith.constant 632 : i32
      %mul3A_30 = arith.muli %arg1, %mul3A_29 : i32
      %mul3A_31 = arith.constant 632 : i32
      %mul3A_32 = arith.muli %arg1, %mul3A_31 : i32
      "tpu.region"() ({
        %run_scoped3A = tpu.sem_alloc : memref<!tpu.dma_semaphore, #tpu.memory_space<semaphore_mem>>
        %dma_start3A = arith.constant 0 : i32
        %dma_start3A_33 = tpu.memref_slice %arg5[%arg0, %mul3A_32, %dma_start3A] : memref<2x10000x16xf32, #tpu.memory_space<hbm>> -> memref<1x632x16xf32, #tpu.memory_space<hbm>>
        %dma_start3A_34 = tpu.memref_squeeze %dma_start3A_33 : memref<1x632x16xf32, #tpu.memory_space<hbm>> -> memref<632x16xf32, #tpu.memory_space<hbm>>
        %dma_start3A_35 = arith.constant 0 : i32
        %dma_start3A_36 = tpu.memref_slice %arg6[%mul3A_30, %dma_start3A_35] : memref<10000x16xf32, #tpu.memory_space<vmem_shared>> -> memref<632x16xf32, #tpu.memory_space<vmem_shared>>
        tpu.enqueue_dma source(%dma_start3A_36 : memref<632x16xf32, #tpu.memory_space<vmem_shared>>) target(%dma_start3A_34 : memref<632x16xf32, #tpu.memory_space<hbm>>) target_semaphore(%run_scoped3A : memref<!tpu.dma_semaphore, #tpu.memory_space<semaphore_mem>>)
        %dma_wait3A = arith.constant 0 : i32
        %dma_wait3A_37 = tpu.memref_slice %arg5[%arg0, %mul3A_32, %dma_wait3A] : memref<2x10000x16xf32, #tpu.memory_space<hbm>> -> memref<1x632x16xf32, #tpu.memory_space<hbm>>
        %dma_wait3A_38 = tpu.memref_squeeze %dma_wait3A_37 : memref<1x632x16xf32, #tpu.memory_space<hbm>> -> memref<632x16xf32, #tpu.memory_space<hbm>>
        %dma_wait3A_39 = arith.constant 0 : i32
        %dma_wait3A_40 = tpu.memref_slice %arg6[%mul3A_30, %dma_wait3A_39] : memref<10000x16xf32, #tpu.memory_space<vmem_shared>> -> memref<632x16xf32, #tpu.memory_space<vmem_shared>>
        tpu.wait_dma2 semaphore(%run_scoped3A : memref<!tpu.dma_semaphore, #tpu.memory_space<semaphore_mem>>) src(%dma_wait3A_40 : memref<632x16xf32, #tpu.memory_space<vmem_shared>>) dst(%dma_wait3A_38 : memref<632x16xf32, #tpu.memory_space<hbm>>)
        tpu.yield
      }) : () -> ()
    } else {
    }
    %eq3A_24 = arith.constant 15 : i32
    %eq3A_25 = arith.cmpi eq, %arg1, %eq3A_24 : i32
    %convert_element_type3A_26 = arith.extui %eq3A_25 : i1 to i32
    %cond3A_27 = arith.constant 0 : i32
    %cond3A_28 = arith.cmpi ne, %convert_element_type3A_26, %cond3A_27 : i32
    scf.if %cond3A_28 {
      "tpu.region"() ({
        %run_scoped3A = tpu.sem_alloc : memref<!tpu.dma_semaphore, #tpu.memory_space<semaphore_mem>>
        %dma_start3A = arith.constant 9480 : i32
        %dma_start3A_29 = arith.constant 0 : i32
        %dma_start3A_30 = tpu.memref_slice %arg5[%arg0, %dma_start3A, %dma_start3A_29] : memref<2x10000x16xf32, #tpu.memory_space<hbm>> -> memref<1x520x16xf32, #tpu.memory_space<hbm>>
        %dma_start3A_31 = tpu.memref_squeeze %dma_start3A_30 : memref<1x520x16xf32, #tpu.memory_space<hbm>> -> memref<520x16xf32, #tpu.memory_space<hbm>>
        %dma_start3A_32 = arith.constant 9480 : i32
        %dma_start3A_33 = arith.constant 0 : i32
        %dma_start3A_34 = tpu.memref_slice %arg6[%dma_start3A_32, %dma_start3A_33] : memref<10000x16xf32, #tpu.memory_space<vmem_shared>> -> memref<520x16xf32, #tpu.memory_space<vmem_shared>>
        tpu.enqueue_dma source(%dma_start3A_34 : memref<520x16xf32, #tpu.memory_space<vmem_shared>>) target(%dma_start3A_31 : memref<520x16xf32, #tpu.memory_space<hbm>>) target_semaphore(%run_scoped3A : memref<!tpu.dma_semaphore, #tpu.memory_space<semaphore_mem>>)
        %dma_wait3A = arith.constant 9480 : i32
        %dma_wait3A_35 = arith.constant 0 : i32
        %dma_wait3A_36 = tpu.memref_slice %arg5[%arg0, %dma_wait3A, %dma_wait3A_35] : memref<2x10000x16xf32, #tpu.memory_space<hbm>> -> memref<1x520x16xf32, #tpu.memory_space<hbm>>
        %dma_wait3A_37 = tpu.memref_squeeze %dma_wait3A_36 : memref<1x520x16xf32, #tpu.memory_space<hbm>> -> memref<520x16xf32, #tpu.memory_space<hbm>>
        %dma_wait3A_38 = arith.constant 9480 : i32
        %dma_wait3A_39 = arith.constant 0 : i32
        %dma_wait3A_40 = tpu.memref_slice %arg6[%dma_wait3A_38, %dma_wait3A_39] : memref<10000x16xf32, #tpu.memory_space<vmem_shared>> -> memref<520x16xf32, #tpu.memory_space<vmem_shared>>
        tpu.wait_dma2 semaphore(%run_scoped3A : memref<!tpu.dma_semaphore, #tpu.memory_space<semaphore_mem>>) src(%dma_wait3A_40 : memref<520x16xf32, #tpu.memory_space<vmem_shared>>) dst(%dma_wait3A_37 : memref<520x16xf32, #tpu.memory_space<hbm>>)
        tpu.yield
      }) : () -> ()
    } else {
    }
    return
  }
}

module attributes {stable_mosaic.version = 14 : i64} {
  func.func @_xw_body(%arg0: i32, %arg1: memref<1000x128xf32, #tpu.memory_space<vmem>>, %arg2: memref<128x128xf32, #tpu.memory_space<vmem>>, %arg3: memref<1000x128xf32, #tpu.memory_space<vmem>>) attributes {dimension_semantics = [#tpu.dimension_semantics<arbitrary>], iteration_bounds = array<i64: 10>, scalar_prefetch = 0 : i64, scratch_operands = 0 : i64, tpu.core_type = #tpu.core_type<tc>, window_params = [{transform_indices = @transform_0, window_bounds = array<i64: 1000, 128>}, {pipeline_mode = #tpu.pipeline_mode<synchronous>, transform_indices = @transform_1, window_bounds = array<i64: 128, 128>}, {transform_indices = @transform_2, window_bounds = array<i64: 1000, 128>}]} {
    %get3A = arith.constant 0 : index
    %get3A_0 = arith.constant 0 : index
    %get3A_1 = vector.load %arg1[%get3A, %get3A_0] : memref<1000x128xf32, #tpu.memory_space<vmem>>, vector<1000x128xf32>
    %get3A_2 = arith.constant 0 : index
    %get3A_3 = arith.constant 0 : index
    %get3A_4 = vector.load %arg2[%get3A_2, %get3A_3] : memref<128x128xf32, #tpu.memory_space<vmem>>, vector<128x128xf32>
    %dot_general3A = arith.constant dense<0.000000e+00> : vector<1000x128xf32>
    %dot_general3A_5 = tpu.matmul %get3A_1, %get3A_4, %dot_general3A {dimension_numbers = #tpu.dot_dimension_numbers<[1], [0], [0], [1], [0, 0, 1, 1], [], []>, transpose_lhs_hint = false} : vector<1000x128xf32>, vector<128x128xf32>, vector<1000x128xf32> -> vector<1000x128xf32>
    %swap3A = arith.constant 0 : index
    %swap3A_6 = arith.constant 0 : index
    %swap3A_7 = vector.load %arg3[%swap3A, %swap3A_6] : memref<1000x128xf32, #tpu.memory_space<vmem>>, vector<1000x128xf32>
    tpu.vector_store %arg3[%swap3A, %swap3A_6], %dot_general3A_5 {strides = array<i32>} : memref<1000x128xf32, #tpu.memory_space<vmem>>, vector<1000x128xf32>,
    return
  }
  func.func @transform_0(%arg0: i32) -> (i32, i32) {
    %c0_i32 = arith.constant 0 : i32
    %c0_i32_0 = arith.constant 0 : i32
    return %arg0, %c0_i32 : i32, i32
  }
  func.func @transform_1(%arg0: i32) -> (i32, i32) {
    %c0_i32 = arith.constant 0 : i32
    %c0_i32_0 = arith.constant 0 : i32
    %c0_i32_1 = arith.constant 0 : i32
    return %c0_i32, %c0_i32_0 : i32, i32
  }
  func.func @transform_2(%arg0: i32) -> (i32, i32) {
    %c0_i32 = arith.constant 0 : i32
    %c0_i32_0 = arith.constant 0 : i32
    return %arg0, %c0_i32 : i32, i32
  }
}

module attributes {stable_mosaic.version = 14 : i64} {
  func.func @_z1_body(%arg0: i32, %arg1: memref<2x1000x16xf32, #tpu.memory_space<vmem>>, %arg2: memref<1000x128xf32, #tpu.memory_space<vmem>>, %arg3: memref<1000x128xf32, #tpu.memory_space<vmem>>) attributes {dimension_semantics = [#tpu.dimension_semantics<arbitrary>], iteration_bounds = array<i64: 10>, scalar_prefetch = 0 : i64, scratch_operands = 0 : i64, tpu.core_type = #tpu.core_type<tc>, window_params = [{transform_indices = @transform_0, window_bounds = array<i64: 2, 1000, 16>}, {transform_indices = @transform_1, window_bounds = array<i64: 1000, 128>}, {transform_indices = @transform_2, window_bounds = array<i64: 1000, 128>}]} {
    %get3A = arith.constant 0 : index
    %get3A_0 = arith.constant 0 : index
    %get3A_1 = arith.constant 0 : index
    %get3A_2 = vector.load %arg1[%get3A, %get3A_0, %get3A_1] : memref<2x1000x16xf32, #tpu.memory_space<vmem>>, vector<2x1000x16xf32>
    %slice3A = vector.extract_strided_slice %get3A_2 {offsets = [0, 0, 0], sizes = [1, 1000, 16], strides = [1, 1, 1]} : vector<2x1000x16xf32> to vector<1x1000x16xf32>
    %squeeze3A = vector.shape_cast %slice3A : vector<1x1000x16xf32> to vector<1000x16xf32>
    %slice3A_3 = vector.extract_strided_slice %get3A_2 {offsets = [1, 0, 0], sizes = [1, 1000, 16], strides = [1, 1, 1]} : vector<2x1000x16xf32> to vector<1x1000x16xf32>
    %squeeze3A_4 = vector.shape_cast %slice3A_3 : vector<1x1000x16xf32> to vector<1000x16xf32>
    %add3A = arith.addf %squeeze3A, %squeeze3A_4 : vector<1000x16xf32>
    %reduce_sum3A = arith.constant dense<0.000000e+00> : vector<1000xf32>
    %reduce_sum3A_5 = vector.multi_reduction <add>, %add3A, %reduce_sum3A [1] : vector<1000x16xf32> to vector<1000xf32>
    %add3A_6 = arith.constant 1.000000e+00 : f32
    %add3A_7 = vector.broadcast %add3A_6 : f32 to vector<1000xf32>
    %add3A_8 = arith.addf %add3A_7, %reduce_sum3A_5 : vector<1000xf32>
    %rsqrt3A = math.rsqrt %add3A_8 : vector<1000xf32>
    %broadcast_in_dim3A = vector.shape_cast %rsqrt3A : vector<1000xf32> to vector<1000x1xf32>
    %get3A_9 = arith.constant 0 : index
    %get3A_10 = arith.constant 0 : index
    %get3A_11 = vector.load %arg2[%get3A_9, %get3A_10] : memref<1000x128xf32, #tpu.memory_space<vmem>>, vector<1000x128xf32>
    %mul3A = vector.broadcast %broadcast_in_dim3A : vector<1000x1xf32> to vector<1000x128xf32>
    %mul3A_12 = arith.mulf %mul3A, %get3A_11 : vector<1000x128xf32>
    %swap3A = arith.constant 0 : index
    %swap3A_13 = arith.constant 0 : index
    %swap3A_14 = vector.load %arg3[%swap3A, %swap3A_13] : memref<1000x128xf32, #tpu.memory_space<vmem>>, vector<1000x128xf32>
    tpu.vector_store %arg3[%swap3A, %swap3A_13], %mul3A_12 {strides = array<i32>} : memref<1000x128xf32, #tpu.memory_space<vmem>>, vector<1000x128xf32>,
    return
  }
  func.func @transform_0(%arg0: i32) -> (i32, i32, i32) {
    %c0_i32 = arith.constant 0 : i32
    %c0_i32_0 = arith.constant 0 : i32
    %c0_i32_1 = arith.constant 0 : i32
    return %c0_i32, %arg0, %c0_i32_0 : i32, i32, i32
  }
  func.func @transform_1(%arg0: i32) -> (i32, i32) {
    %c0_i32 = arith.constant 0 : i32
    %c0_i32_0 = arith.constant 0 : i32
    return %arg0, %c0_i32 : i32, i32
  }
  func.func @transform_2(%arg0: i32) -> (i32, i32) {
    %c0_i32 = arith.constant 0 : i32
    %c0_i32_0 = arith.constant 0 : i32
    return %arg0, %c0_i32 : i32, i32
  }
}

module attributes {stable_mosaic.version = 14 : i64} {
  func.func @_mid_body(%arg0: i32, %arg1: memref<2x1000x16xf32, #tpu.memory_space<vmem>>, %arg2: memref<2x1000x128xf32, #tpu.memory_space<vmem>>, %arg3: memref<1000x128xf32, #tpu.memory_space<vmem>>, %arg4: memref<1x128xf32, #tpu.memory_space<vmem>>, %arg5: memref<128x64xf32, #tpu.memory_space<vmem>>, %arg6: memref<1000x64xf32, #tpu.memory_space<vmem>>) attributes {dimension_semantics = [#tpu.dimension_semantics<arbitrary>], iteration_bounds = array<i64: 10>, scalar_prefetch = 0 : i64, scratch_operands = 0 : i64, tpu.core_type = #tpu.core_type<tc>, window_params = [{transform_indices = @transform_0, window_bounds = array<i64: 2, 1000, 16>}, {transform_indices = @transform_1, window_bounds = array<i64: 2, 1000, 128>}, {transform_indices = @transform_2, window_bounds = array<i64: 1000, 128>}, {pipeline_mode = #tpu.pipeline_mode<synchronous>, transform_indices = @transform_3, window_bounds = array<i64: 1, 128>}, {pipeline_mode = #tpu.pipeline_mode<synchronous>, transform_indices = @transform_4, window_bounds = array<i64: 128, 64>}, {transform_indices = @transform_5, window_bounds = array<i64: 1000, 64>}]} {
    %get3A = arith.constant 0 : index
    %get3A_0 = arith.constant 0 : index
    %get3A_1 = arith.constant 0 : index
    %get3A_2 = vector.load %arg1[%get3A, %get3A_0, %get3A_1] : memref<2x1000x16xf32, #tpu.memory_space<vmem>>, vector<2x1000x16xf32>
    %slice3A = vector.extract_strided_slice %get3A_2 {offsets = [0, 0, 0], sizes = [1, 1000, 16], strides = [1, 1, 1]} : vector<2x1000x16xf32> to vector<1x1000x16xf32>
    %squeeze3A = vector.shape_cast %slice3A : vector<1x1000x16xf32> to vector<1000x16xf32>
    %slice3A_3 = vector.extract_strided_slice %get3A_2 {offsets = [1, 0, 0], sizes = [1, 1000, 16], strides = [1, 1, 1]} : vector<2x1000x16xf32> to vector<1x1000x16xf32>
    %squeeze3A_4 = vector.shape_cast %slice3A_3 : vector<1x1000x16xf32> to vector<1000x16xf32>
    %add3A = arith.addf %squeeze3A, %squeeze3A_4 : vector<1000x16xf32>
    %reduce_sum3A = arith.constant dense<0.000000e+00> : vector<1000xf32>
    %reduce_sum3A_5 = vector.multi_reduction <add>, %add3A, %reduce_sum3A [1] : vector<1000x16xf32> to vector<1000xf32>
    %add3A_6 = arith.constant 1.000000e+00 : f32
    %add3A_7 = vector.broadcast %add3A_6 : f32 to vector<1000xf32>
    %add3A_8 = arith.addf %add3A_7, %reduce_sum3A_5 : vector<1000xf32>
    %rsqrt3A = math.rsqrt %add3A_8 : vector<1000xf32>
    %get3A_9 = arith.constant 0 : index
    %get3A_10 = arith.constant 0 : index
    %get3A_11 = arith.constant 0 : index
    %get3A_12 = vector.load %arg2[%get3A_9, %get3A_10, %get3A_11] : memref<2x1000x128xf32, #tpu.memory_space<vmem>>, vector<1x1000x128xf32>
    %get3A_13 = vector.shape_cast %get3A_12 : vector<1x1000x128xf32> to vector<1000x128xf32>
    %get3A_14 = arith.constant 1 : index
    %get3A_15 = arith.constant 0 : index
    %get3A_16 = arith.constant 0 : index
    %get3A_17 = vector.load %arg2[%get3A_14, %get3A_15, %get3A_16] : memref<2x1000x128xf32, #tpu.memory_space<vmem>>, vector<1x1000x128xf32>
    %get3A_18 = vector.shape_cast %get3A_17 : vector<1x1000x128xf32> to vector<1000x128xf32>
    %add3A_19 = arith.addf %get3A_13, %get3A_18 : vector<1000x128xf32>
    %get3A_20 = arith.constant 0 : index
    %get3A_21 = arith.constant 0 : index
    %get3A_22 = vector.load %arg3[%get3A_20, %get3A_21] : memref<1000x128xf32, #tpu.memory_space<vmem>>, vector<1000x128xf32>
    %add3A_23 = arith.addf %add3A_19, %get3A_22 : vector<1000x128xf32>
    %broadcast_in_dim3A = vector.shape_cast %rsqrt3A : vector<1000xf32> to vector<1000x1xf32>
    %mul3A = vector.broadcast %broadcast_in_dim3A : vector<1000x1xf32> to vector<1000x128xf32>
    %mul3A_24 = arith.mulf %mul3A, %add3A_23 : vector<1000x128xf32>
    %get3A_25 = arith.constant 0 : index
    %get3A_26 = arith.constant 0 : index
    %get3A_27 = vector.load %arg4[%get3A_25, %get3A_26] : memref<1x128xf32, #tpu.memory_space<vmem>>, vector<1x128xf32>
    %add3A_28 = vector.broadcast %get3A_27 : vector<1x128xf32> to vector<1000x128xf32>
    %add3A_29 = arith.addf %mul3A_24, %add3A_28 : vector<1000x128xf32>
    %max3A = arith.constant 0.000000e+00 : f32
    %max3A_30 = vector.broadcast %max3A : f32 to vector<1000x128xf32>
    %max3A_31 = arith.maximumf %add3A_29, %max3A_30 : vector<1000x128xf32>
    %broadcast_in_dim3A_32 = vector.shape_cast %rsqrt3A : vector<1000xf32> to vector<1000x1xf32>
    %get3A_33 = arith.constant 0 : index
    %get3A_34 = arith.constant 0 : index
    %get3A_35 = vector.load %arg5[%get3A_33, %get3A_34] : memref<128x64xf32, #tpu.memory_space<vmem>>, vector<128x64xf32>
    %dot_general3A = arith.constant dense<0.000000e+00> : vector<1000x64xf32>
    %dot_general3A_36 = tpu.matmul %max3A_31, %get3A_35, %dot_general3A {dimension_numbers = #tpu.dot_dimension_numbers<[1], [0], [0], [1], [0, 0, 1, 1], [], []>, transpose_lhs_hint = false} : vector<1000x128xf32>, vector<128x64xf32>, vector<1000x64xf32> -> vector<1000x64xf32>
    %mul3A_37 = vector.broadcast %broadcast_in_dim3A_32 : vector<1000x1xf32> to vector<1000x64xf32>
    %mul3A_38 = arith.mulf %mul3A_37, %dot_general3A_36 : vector<1000x64xf32>
    %swap3A = arith.constant 0 : index
    %swap3A_39 = arith.constant 0 : index
    %swap3A_40 = vector.load %arg6[%swap3A, %swap3A_39] : memref<1000x64xf32, #tpu.memory_space<vmem>>, vector<1000x64xf32>
    tpu.vector_store %arg6[%swap3A, %swap3A_39], %mul3A_38 {strides = array<i32>} : memref<1000x64xf32, #tpu.memory_space<vmem>>, vector<1000x64xf32>,
    return
  }
  func.func @transform_0(%arg0: i32) -> (i32, i32, i32) {
    %c0_i32 = arith.constant 0 : i32
    %c0_i32_0 = arith.constant 0 : i32
    %c0_i32_1 = arith.constant 0 : i32
    return %c0_i32, %arg0, %c0_i32_0 : i32, i32, i32
  }
  func.func @transform_1(%arg0: i32) -> (i32, i32, i32) {
    %c0_i32 = arith.constant 0 : i32
    %c0_i32_0 = arith.constant 0 : i32
    %c0_i32_1 = arith.constant 0 : i32
    return %c0_i32, %arg0, %c0_i32_0 : i32, i32, i32
  }
  func.func @transform_2(%arg0: i32) -> (i32, i32) {
    %c0_i32 = arith.constant 0 : i32
    %c0_i32_0 = arith.constant 0 : i32
    return %arg0, %c0_i32 : i32, i32
  }
  func.func @transform_3(%arg0: i32) -> (i32, i32) {
    %c0_i32 = arith.constant 0 : i32
    %c0_i32_0 = arith.constant 0 : i32
    %c0_i32_1 = arith.constant 0 : i32
    return %c0_i32, %c0_i32_0 : i32, i32
  }
  func.func @transform_4(%arg0: i32) -> (i32, i32) {
    %c0_i32 = arith.constant 0 : i32
    %c0_i32_0 = arith.constant 0 : i32
    %c0_i32_1 = arith.constant 0 : i32
    return %c0_i32, %c0_i32_0 : i32, i32
  }
  func.func @transform_5(%arg0: i32) -> (i32, i32) {
    %c0_i32 = arith.constant 0 : i32
    %c0_i32_0 = arith.constant 0 : i32
    return %arg0, %c0_i32 : i32, i32
  }
}

module attributes {stable_mosaic.version = 14 : i64} {
  func.func @_out_body(%arg0: i32, %arg1: memref<2x1000x16xf32, #tpu.memory_space<vmem>>, %arg2: memref<2x1000x64xf32, #tpu.memory_space<vmem>>, %arg3: memref<1000x64xf32, #tpu.memory_space<vmem>>, %arg4: memref<1x64xf32, #tpu.memory_space<vmem>>, %arg5: memref<1000x64xf32, #tpu.memory_space<vmem>>) attributes {dimension_semantics = [#tpu.dimension_semantics<arbitrary>], iteration_bounds = array<i64: 10>, scalar_prefetch = 0 : i64, scratch_operands = 0 : i64, tpu.core_type = #tpu.core_type<tc>, window_params = [{transform_indices = @transform_0, window_bounds = array<i64: 2, 1000, 16>}, {transform_indices = @transform_1, window_bounds = array<i64: 2, 1000, 64>}, {transform_indices = @transform_2, window_bounds = array<i64: 1000, 64>}, {pipeline_mode = #tpu.pipeline_mode<synchronous>, transform_indices = @transform_3, window_bounds = array<i64: 1, 64>}, {transform_indices = @transform_4, window_bounds = array<i64: 1000, 64>}]} {
    %get3A = arith.constant 0 : index
    %get3A_0 = arith.constant 0 : index
    %get3A_1 = arith.constant 0 : index
    %get3A_2 = vector.load %arg1[%get3A, %get3A_0, %get3A_1] : memref<2x1000x16xf32, #tpu.memory_space<vmem>>, vector<2x1000x16xf32>
    %slice3A = vector.extract_strided_slice %get3A_2 {offsets = [0, 0, 0], sizes = [1, 1000, 16], strides = [1, 1, 1]} : vector<2x1000x16xf32> to vector<1x1000x16xf32>
    %squeeze3A = vector.shape_cast %slice3A : vector<1x1000x16xf32> to vector<1000x16xf32>
    %slice3A_3 = vector.extract_strided_slice %get3A_2 {offsets = [1, 0, 0], sizes = [1, 1000, 16], strides = [1, 1, 1]} : vector<2x1000x16xf32> to vector<1x1000x16xf32>
    %squeeze3A_4 = vector.shape_cast %slice3A_3 : vector<1x1000x16xf32> to vector<1000x16xf32>
    %add3A = arith.addf %squeeze3A, %squeeze3A_4 : vector<1000x16xf32>
    %reduce_sum3A = arith.constant dense<0.000000e+00> : vector<1000xf32>
    %reduce_sum3A_5 = vector.multi_reduction <add>, %add3A, %reduce_sum3A [1] : vector<1000x16xf32> to vector<1000xf32>
    %add3A_6 = arith.constant 1.000000e+00 : f32
    %add3A_7 = vector.broadcast %add3A_6 : f32 to vector<1000xf32>
    %add3A_8 = arith.addf %add3A_7, %reduce_sum3A_5 : vector<1000xf32>
    %rsqrt3A = math.rsqrt %add3A_8 : vector<1000xf32>
    %broadcast_in_dim3A = vector.shape_cast %rsqrt3A : vector<1000xf32> to vector<1000x1xf32>
    %get3A_9 = arith.constant 0 : index
    %get3A_10 = arith.constant 0 : index
    %get3A_11 = arith.constant 0 : index
    %get3A_12 = vector.load %arg2[%get3A_9, %get3A_10, %get3A_11] : memref<2x1000x64xf32, #tpu.memory_space<vmem>>, vector<1x1000x64xf32>
    %get3A_13 = vector.shape_cast %get3A_12 : vector<1x1000x64xf32> to vector<1000x64xf32>
    %get3A_14 = arith.constant 1 : index
    %get3A_15 = arith.constant 0 : index
    %get3A_16 = arith.constant 0 : index
    %get3A_17 = vector.load %arg2[%get3A_14, %get3A_15, %get3A_16] : memref<2x1000x64xf32, #tpu.memory_space<vmem>>, vector<1x1000x64xf32>
    %get3A_18 = vector.shape_cast %get3A_17 : vector<1x1000x64xf32> to vector<1000x64xf32>
    %add3A_19 = arith.addf %get3A_13, %get3A_18 : vector<1000x64xf32>
    %get3A_20 = arith.constant 0 : index
    %get3A_21 = arith.constant 0 : index
    %get3A_22 = vector.load %arg3[%get3A_20, %get3A_21] : memref<1000x64xf32, #tpu.memory_space<vmem>>, vector<1000x64xf32>
    %add3A_23 = arith.addf %add3A_19, %get3A_22 : vector<1000x64xf32>
    %mul3A = vector.broadcast %broadcast_in_dim3A : vector<1000x1xf32> to vector<1000x64xf32>
    %mul3A_24 = arith.mulf %mul3A, %add3A_23 : vector<1000x64xf32>
    %get3A_25 = arith.constant 0 : index
    %get3A_26 = arith.constant 0 : index
    %get3A_27 = vector.load %arg4[%get3A_25, %get3A_26] : memref<1x64xf32, #tpu.memory_space<vmem>>, vector<1x64xf32>
    %add3A_28 = vector.broadcast %get3A_27 : vector<1x64xf32> to vector<1000x64xf32>
    %add3A_29 = arith.addf %mul3A_24, %add3A_28 : vector<1000x64xf32>
    %reduce_max3A = arith.constant dense<0xFF800000> : vector<1000xf32>
    %reduce_max3A_30 = vector.multi_reduction <maximumf>, %add3A_29, %reduce_max3A [1] : vector<1000x64xf32> to vector<1000xf32>
    %broadcast_in_dim3A_31 = vector.shape_cast %reduce_max3A_30 : vector<1000xf32> to vector<1000x1xf32>
    %sub3A = vector.broadcast %broadcast_in_dim3A_31 : vector<1000x1xf32> to vector<1000x64xf32>
    %sub3A_32 = arith.subf %add3A_29, %sub3A : vector<1000x64xf32>
    %exp3A = math.exp %sub3A_32 : vector<1000x64xf32>
    %reduce_sum3A_33 = arith.constant dense<0.000000e+00> : vector<1000xf32>
    %reduce_sum3A_34 = vector.multi_reduction <add>, %exp3A, %reduce_sum3A_33 [1] : vector<1000x64xf32> to vector<1000xf32>
    %broadcast_in_dim3A_35 = vector.shape_cast %reduce_sum3A_34 : vector<1000xf32> to vector<1000x1xf32>
    %log3A = math.log %broadcast_in_dim3A_35 : vector<1000x1xf32>
    %add3A_36 = arith.addf %log3A, %broadcast_in_dim3A_31 : vector<1000x1xf32>
    %sub3A_37 = vector.broadcast %add3A_36 : vector<1000x1xf32> to vector<1000x64xf32>
    %sub3A_38 = arith.subf %add3A_29, %sub3A_37 : vector<1000x64xf32>
    %swap3A = arith.constant 0 : index
    %swap3A_39 = arith.constant 0 : index
    %swap3A_40 = vector.load %arg5[%swap3A, %swap3A_39] : memref<1000x64xf32, #tpu.memory_space<vmem>>, vector<1000x64xf32>
    tpu.vector_store %arg5[%swap3A, %swap3A_39], %sub3A_38 {strides = array<i32>} : memref<1000x64xf32, #tpu.memory_space<vmem>>, vector<1000x64xf32>,
    return
  }
  func.func @transform_0(%arg0: i32) -> (i32, i32, i32) {
    %c0_i32 = arith.constant 0 : i32
    %c0_i32_0 = arith.constant 0 : i32
    %c0_i32_1 = arith.constant 0 : i32
    return %c0_i32, %arg0, %c0_i32_0 : i32, i32, i32
  }
  func.func @transform_1(%arg0: i32) -> (i32, i32, i32) {
    %c0_i32 = arith.constant 0 : i32
    %c0_i32_0 = arith.constant 0 : i32
    %c0_i32_1 = arith.constant 0 : i32
    return %c0_i32, %arg0, %c0_i32_0 : i32, i32, i32
  }
  func.func @transform_2(%arg0: i32) -> (i32, i32) {
    %c0_i32 = arith.constant 0 : i32
    %c0_i32_0 = arith.constant 0 : i32
    return %arg0, %c0_i32 : i32, i32
  }
  func.func @transform_3(%arg0: i32) -> (i32, i32) {
    %c0_i32 = arith.constant 0 : i32
    %c0_i32_0 = arith.constant 0 : i32
    %c0_i32_1 = arith.constant 0 : i32
    return %c0_i32, %c0_i32_0 : i32, i32
  }
  func.func @transform_4(%arg0: i32) -> (i32, i32) {
    %c0_i32 = arith.constant 0 : i32
    %c0_i32_0 = arith.constant 0 : i32
    return %arg0, %c0_i32 : i32, i32
  }
}

</mosaic_0001>

<sc_bundles>
// kernel: kernel.12.cloned.1.call-start
scs
__scs_entry_jumppad:
0x0: {  	(pc) =	sbr.rel $0x88, $3  }
0x1: {  	(tag) =	ssettag $0x0;
	lr =	simm.s32 $0x1  }
0x2: {  	[smem:$0x3F9B] =	sst lr;
	_ =	strace $0xD0000000  }
0x3: {  	_ = 	snop  }
0x4: {  	_ = 	snop  }
0x5: {  	_ = 	snop  }
0x6: {  	_ = 	snop  }
0x7: {  	_ = 	snop  }
__scs_overlays_trampoline_lowered:
0x8: {  	[smem:$0x3FAA] =	sst s0  }
0x9: {  	[smem:$0x3FAB] =	sst s1  }
0xa: {  	[smem:$0x3FAC] =	sst s2  }
0xb: {  	[smem:$0x3FAD] =	sst s3  }
0xc: {  	[smem:$0x3FAE] =	sst s4  }
0xd: {  	[smem:$0x3FAF] =	sst s5  }
0xe: {  	[smem:$0x3FB0] =	sst s6  }
0xf: {  	[smem:$0x3FB1] =	sst s7  }
0x10: {  	[smem:$0x3FB2] =	sst s8  }
0x11: {  	[smem:$0x3FB3] =	sst s9;
	s0 =	simm.s32 @!p0 $0x0  }
0x12: {  	s1 =	sld [smem:$0x3F99];
	s0 =	simm.s32 @p0 $0x1  }
0x13: {  	[smem:$0x3FB4] =	sst s0;
	s0 =	simm.s32 @!p1 $0x0  }
0x14: {  	s2 =	sld [smem:$0x3F98];
	s0 =	simm.s32 @p1 $0x1  }
0x15: {  	[smem:$0x3FB5] =	sst s0;
	s0 =	simm.s32 @!p2 $0x0  }
0x16: {  	s3 =	sld [smem:$0x3FDB];
	s0 =	simm.s32 @p2 $0x1  }
0x17: {  	s4 =	simm.s32 $0x1BF5;
	[smem:$0x3FB7] =	sst s0  }
0x18: {  	s0 =	sld [smem:$0x3F9A];
	_ =	swait.ge [sflag:s4], $0x0  }
0x19: {  	s7 =	sld [smem:$0x3F9B]  }
0x1a: {  	s8 =	sadd.s32 $0xFFFFE003, lr  }
0x1b: {  	s9 =	sadd.s32 $0xFFFFFEF7, lr;
	s5 =	simm.s32 $0xFFFFFFFF;
	p2 =	slt.u32 s8, $0xFFFFF086  }
0x1c: {  	p1 =	slt.u32 s9, $0xF7A;
	s5 =	simm.s32 @!p2 $0x0  }
0x1d: {  	s5 =	simm.s32 @p1 $0x1;
	p0 =	seq.s32 s7, s2  }
0x1e: {  	s7 =	smul.u32 @!p0 $0xF7A, s2;
	p2 =	seq.s32 @!p0 s5, $0x0  }
0x1f: {  	s9 =	smul.u32 $0xF7A, s1;
	s8 =	simm.s32 @!p0 $0x1BF5;
	p2 =	por !p2, p0  }
0x20: {  	[sflag:s8] =	ssyncset.s32 @!p0 $0xFFFFF086;
	s6 =	sadd.s32 @!p0 s3, s7;
	s7 =	simm.s32 @!p0 $0x108  }
0x21: {  	s3 =	sadd.s32 s3, s9;
	s6 =	sadd.s32 @!p0 $0x88, s6;
	s7 =	simm.s32 @p2 $0x1082  }
0x22: {  	[simem:s7], [sflag:s8] =	dma.local @!p0 [hbm:s6], $0xF7A  }
0x23: {  	s9 =	sor.u32 $0xD0000000, s2;
	s6 =	simm.s32 $0x108;
	_ =	swait.ge @!p0 [sflag:s8], $0x0  }
0x24: {  	s3 =	sadd.s32 $0x88, s3;
	s6 =	simm.s32 @!p1 $0x1082;
	[sflag:s4] =	ssyncset.s32 $0xFFFFF086  }
0x25: {  	[simem:s6], [sflag:s4] =	dma.local [hbm:s3], $0xF7A  }
0x26: {  	[smem:$0x3F9B] =	sst s1;
	(tag) =	ssettag s2;
	_ =	strace s9  }
0x27: {  	s1 =	sld [smem:$0x3FAB]  }
0x28: {  	s2 =	sld [smem:$0x3FAC]  }
0x29: {  	s4 =	sld [smem:$0x3FAE]  }
0x2a: {  	p0 =	seq.s32 s5, $0x0;
	s5 =	sld [smem:$0x3FAF]  }
0x2b: {  	s6 =	sld [smem:$0x3FB0]  }
0x2c: {  	s7 =	sld [smem:$0x3FB1]  }
0x2d: {  	s3 =	simm.s32 $0x108;
	s8 =	sld [smem:$0x3FB2]  }
0x2e: {  	s3 =	simm.s32 @!p0 $0x1082;
	s9 =	sld [smem:$0x3FB3]  }
0x2f: {  	lr =	sadd.s32 s0, s3;
	s0 =	sld [smem:$0x3FAA]  }
0x30: {  	s3 =	sld [smem:$0x3FAD]  }
0x31: {  	[smem:$0x3FB6] =	sst s10  }
0x32: {  	s10 =	sld [smem:$0x3FB4];
	_ =	sdelay $0x3  }
0x33: {  	p0 =	seq.s32 s10, $0x1;
	s10 =	sld [smem:$0x3FB6];
	_ =	sdelay $0x3  }
0x34: {  	[smem:$0x3FB6] =	sst s10  }
0x35: {  	s10 =	sld [smem:$0x3FB5];
	_ =	sdelay $0x3  }
0x36: {  	p1 =	seq.s32 s10, $0x1;
	s10 =	sld [smem:$0x3FB6];
	_ =	sdelay $0x3  }
0x37: {  	[smem:$0x3FB6] =	sst s10  }
0x38: {  	s10 =	sld [smem:$0x3FB7]  }
0x39: {  	_ = 	snop;
	(pc) =	sbr.ind lr, $3  }
0x3a: {  	_ = 	snop  }
0x3b: {  	_ = 	snop  }
0x3c: {  	p2 =	seq.s32 s10, $0x1;
	s10 =	sld [smem:$0x3FB6]  }
0x3d: {  	_ =	shalt  }
0x3e: {  	_ =	shalt  }
0x3f: {  	_ =	shalt  }
0x40: {  	_ =	shalt  }
0x41: {  	_ =	shalt  }
0x42: {  	_ =	shalt  }
0x43: {  	_ =	shalt  }
0x44: {  	_ =	shalt  }
0x45: {  	_ =	shalt  }
0x46: {  	_ =	shalt  }
0x47: {  	_ =	shalt  }
0x48: {  	_ =	shalt  }
0x49: {  	_ =	shalt  }
0x4a: {  	_ =	shalt  }
0x4b: {  	_ =	shalt  }
0x4c: {  	_ =	shalt  }
0x4d: {  	_ =	shalt  }
0x4e: {  	_ =	shalt  }
0x4f: {  	_ =	shalt  }
0x50: {  	_ =	shalt  }
0x51: {  	_ =	shalt  }
0x52: {  	_ =	shalt  }
0x53: {  	_ =	shalt  }
0x54: {  	_ =	shalt  }
0x55: {  	_ =	shalt  }
0x56: {  	_ =	shalt  }
0x57: {  	_ =	shalt  }
0x58: {  	_ =	shalt  }
0x59: {  	_ =	shalt  }
0x5a: {  	_ =	shalt  }
0x5b: {  	_ =	shalt  }
0x5c: {  	_ =	shalt  }
0x5d: {  	_ =	shalt  }
0x5e: {  	_ =	shalt  }
0x5f: {  	_ =	shalt  }
0x60: {  	_ =	shalt  }
0x61: {  	_ =	shalt  }
0x62: {  	_ =	shalt  }
0x63: {  	_ =	shalt  }
0x64: {  	_ =	shalt  }
0x65: {  	_ =	shalt  }
0x66: {  	_ =	shalt  }
0x67: {  	_ =	shalt  }
0x68: {  	_ =	shalt  }
0x69: {  	_ =	shalt  }
0x6a: {  	_ =	shalt  }
0x6b: {  	_ =	shalt  }
0x6c: {  	_ =	shalt  }
0x6d: {  	_ =	shalt  }
0x6e: {  	_ =	shalt  }
0x6f: {  	_ =	shalt  }
0x70: {  	_ =	shalt  }
0x71: {  	_ =	shalt  }
0x72: {  	_ =	shalt  }
0x73: {  	_ =	shalt  }
0x74: {  	_ =	shalt  }
0x75: {  	_ =	shalt  }
0x76: {  	_ =	shalt  }
0x77: {  	_ =	shalt  }
0x78: {  	_ =	shalt  }
0x79: {  	_ =	shalt  }
0x7a: {  	_ =	shalt  }
0x7b: {  	_ =	shalt  }
0x7c: {  	_ =	shalt  }
0x7d: {  	_ =	shalt  }
0x7e: {  	_ =	shalt  }
0x7f: {  	_ =	shalt  }
0x80: {  	_ =	shalt  }
0x81: {  	_ =	shalt  }
0x82: {  	_ =	shalt  }
0x83: {  	_ =	shalt  }
0x84: {  	_ =	shalt  }
0x85: {  	_ =	shalt  }
0x86: {  	_ =	shalt  }
0x87: {  	_ =	shalt  }
.Lfunc_end0:
.L_simem_size_0:
called_computation.1_lowered:
.L_overlay_start_0:
0x88: {  	s2 =	sld [smem:$0x3FD9]  }
0x89: {  	s3 =	sld [smem:$0x3FFE];
	_ =	sdelay $0x1  }
0x8a: {  	s1 =	srdreg.scid  }
0x8b: {  	s0 =	sand.u32 $0x1, s1  }
0x8c: {  	s17 =	sshll.u32 s0, $0xA;
	s2 =	sadd.s32 s3, s2  }
0x8d: {  	s2 =	sadd.s32 s2, s17  }
0x8e: {  	[smem:$0x3FC2] =	sst s2  }
0x8f: {  	_ = 	snop  }
0x90: {  	s2 =	sld [smem:$0x3FD0];
	(tm) =	ssettm $0x1  }
0x91: {  	s18 =	sld [smem:$0x3FFB];
	_ =	sdelay $0x3  }
0x92: {  	_ =	strace s18  }
0x93: {  	s3 =	sld [smem:$0x3FFC];
	_ =	sdelay $0x3  }
0x94: {  	_ =	strace s3  }
0x95: {  	s3 =	sld [smem:$0x3FFD];
	_ =	sdelay $0x3  }
0x96: {  	_ =	strace s3  }
0x97: {  	_ =	strace $0x8FFFFFFF  }
0x98: {  	s19 =	sld [smem:$0x3FDB];
	_ =	sdelay $0x1  }
0x99: {  	s4 =	simm.s32 $_scs_section_size  }
0x9a: {  	s5 =	simm.s32 $_size__tile_overlayer_lowered;
	s6 =	simm.s32 $_tile_overlayer_lowered  }
0x9b: {  	s22 =	simm.s32 $0x1BFF;
	s21 =	sshll.u32 s6, $0x1;
	s3 =	sadd.s32 s4, s19  }
0x9c: {  	s7 =	simm.s32 $0x0;
	s20 =	sshll.u32 s5, $0x1;
	s5 =	sadd.s32 s21, s3  }
0x9d: {  	[timem:s7], [sflag:s22] =	dma.local [hbm:s5], s20  }
0x9e: {  	_ =	swait.ge [sflag:s22], s20  }
0x9f: {  	s4 =	ssub.s32 $0x0, s20;
	[sflag:s22] =	ssyncset.done $0x0  }
0xa0: {  	[sflag:s22] =	ssyncadd.s32 s4;
	_ =	sdelay $0x1  }
0xa1: {  	s23 =	simm.s32 $0x1B8B  }
0xa2: {  	_ =	swait.ge [sflag:s23], $0x1  }
0xa3: {  	[sflag:s23] =	ssyncset.done $0x0  }
0xa4: {  	s25 =	simm.s32 $0x1B8E;
	s24 =	sld [smem:$0x3FFE];
	[sflag:s23] =	ssyncadd.s32 $0xFFFFFFFF  }
0xa5: {  	s26 =	simm.s32 $execute0_lowered;
	[smem:$0x3FD2] =	sst s25  }
0xa6: {  	s5 =	sshll.u32 s26, $0x1;
	_ =	strace $0x80000049;
	[dreg:$0x1] =	wrdreg $0xFFFFFFFF  }
0xa7: {  	s28 =	simm.s32 $_size_execute0_lowered;
	s3 =	sadd.s32 s3, s5;
	[dreg:$0x0] =	wrdreg $0x0  }
0xa8: {  	s5 =	sshll.u32 s28, $0x1;
	[dreg:$0x2] =	wrdreg s3  }
0xa9: {  	[dreg:$0x3] =	wrdreg s5  }
0xaa: {  	[dreg:$0x4] =	wrdreg $0xC0  }
0xab: {  	_ =	task [dreg:s7], $0x5FFFF  }
0xac: {  	[dreg:$0x1] =	wrdreg $0xFFFFFFFF  }
0xad: {  	[dreg:$0x0] =	wrdreg $0x60  }
0xae: {  	[dreg:$0x2] =	wrdreg s24  }
0xaf: {  	[dreg:$0x3] =	wrdreg s2  }
0xb0: {  	[dreg:$0x4] =	wrdreg $0x0  }
0xb1: {  	[dreg:$0x5] =	wrdreg $0x9  }
0xb2: {  	_ =	task.clear_ibuf [dreg:s7], $0x6FFFF;
	_ =	strace $0x90000049  }
0xb3: {  	s29 =	simm.s32 $0x9;
	_ =	strace $0x8000004B  }
0xb4: {  	_ =	swait.ge [sflag:s29], $0x1  }
0xb5: {  	[sflag:s29] =	ssyncadd.s32 $0xFFFFFFFF  }
0xb6: {  	_ =	strace $0x9000004B  }
0xb7: {  	_ =	sfence  }
0xb8: {  	s30 =	sld [smem:$0x0];
	_ =	sdelay $0x2  }
0xb9: {  	s31 =	sshll.u32 s1, $0xD;
	s1 =	sshrl.u32 s1, $0x2  }
0xba: {  	s3 =	sand.u32 $0x4000, s31;
	s1 =	sadd.s32 s1, s30  }
0xbb: {  	s0 =	sor.u32 s3, s0;
	s1 =	sshll.u32 s1, $0x11  }
0xbc: {  	s0 =	sor.u32 s1, s0  }
0xbd: {  	s0 =	sadd.s32 $0x8F2B, s0  }
0xbe: {  	[sflag:s0] =	ssyncadd.remote.s32 $0x1  }
0xbf: {  	_ =	sfence.sel $0xFFFF  }
0xc0: {  	[dreg:$0x0] =	wrdreg $0xFFFFFFFF;
	(pc) =	sbr.abs _section_cstart, $3  }
0xc1: {  	[dreg:$0x1] =	wrdreg $0xFFFFFFFF  }
0xc2: {  	_ =	task.clear_ibuf [dreg:s7], $0x2FFFF;
	_ =	strace $0x9FFFFFFF  }
0xc3: {  	(tm) =	ssettm $0x7FFFFFFF  }
tec
execute0_lowered:
.L_overlay_start_1:
0x0: {  	(tag) =	ssettag $0x1  }
0x1: {  	s8 =	rddreg [dreg:$0x0]  }
0x2: {  	s1 =	rddreg [dreg:$0x1]  }
0x3: {  	s2 =	rddreg [dreg:$0x2]  }
0x4: {  	s0 =	rddreg [dreg:$0x3];
	s3 =	simm.s32 $0x0;
	s7 =	srdreg.scid  }
0x5: {  	s4 =	stileid.u32;
	s18 =	simm.s32 $0x15880;
	s19 =	simm.s32 $0x13900  }
0x6: {  	s20 =	simm.s32 $0x18080;
	s21 =	simm.s32 $0x4;
	[smem:$0x7FF] =	sst s3  }
0x7: {  	s5 =	sadd.s32 $0x1E00, s8;
	s6 =	sadd.s32 $0x74600, s8;
	s9 =	sand.u32 $0x1, s7  }
0x8: {  	s7 =	sadd.s32 $0x60600, s8;
	s11 =	smul.u32 $0x4F000, s4;
	s12 =	sadd.s32 $0x88600, s8  }
0x9: {  	s14 =	sshll.u32 s4, $0x1;
	s15 =	smul.u32 $0x13C00, s4;
	s17 =	sadd.s32 $0x128400, s2  }
0xa: {  	p0 =	seq.s32 s4, $0xF;
	_ =	strace $0x8000004A;
	s10 =	ssub.s32 $0x2, s9  }
0xb: {  	s13 =	smul.u32 $0x138800, s9;
	s29 =	sor.u32 s9, s14;
	s28 =	sshrl.u32 s10, $0x1  }
0xc: {  	s11 =	sshrl.u32 s11, $0x2;
	s8 =	smul.u32 $0x5000, s29;
	s16 =	ssub.s32 s10, s28  }
0xd: {  	s14 =	sadd.s32 s11, s2;
	s30 =	sadd.s32 s15, s13;
	s31 =	sshrl.u32 s13, $0x3  }
0xe: {  	s13 =	sshll.u32 @!p0 s4, $0x6;
	s15 =	simm.s32 $0x13880;
	s9 =	sshrl.u32 s30, $0x3  }
0xf: {  	s10 =	sadd.s32 s12, s31;
	s11 =	smax.u32 s16, $0x1;
	s13 =	sor.u32 @!p0 $0x1C07, s13  }
0x10: {  	s14 =	sshrl.u32 @!p0 s14, $0x3;
	s16 =	simm.s32 $0x7;
	s9 =	sadd.s32 s12, s9  }
0x11: {  	s10 =	sadd.s32 $0x25080, s10;
	s12 =	sshrl.u32 @p0 s17, $0x3;
	s17 =	simm.s32 $0x50  }
.LBB2_1:
0x12: {  	s22 =	simm.s32 @p0 $0x1FC7  }
0x13: {  	[spmem:s12], [sflag:s22] =	dma.local @p0 [hbm:s1], $0x2080  }
0x14: {  	s22 =	simm.s32 @p0 $0x7  }
0x15: {  	_ =	swait.ge @p0 [sflag:s22], $0x2080  }
0x16: {  	[sflag:s22] =	ssyncset.done @p0 $0x0  }
0x17: {  	[sflag:s22] =	ssyncadd.s32 @p0 $0xFFFFDF80;
	s22 =	simm.s32 @!p0 $0x7  }
0x18: {  	[spmem:s14], [sflag:s13] =	dma.local @!p0 [hbm:s1], $0x2780  }
0x19: {  	_ =	swait.ge @!p0 [sflag:s22], $0x2780  }
0x1a: {  	[sflag:s22] =	ssyncset.done @!p0 $0x0  }
0x1b: {  	[sflag:s22] =	ssyncadd.s32 @!p0 $0xFFFFD880  }
0x1c: {  	s22 =	simm.s32 $0x0;
	[bflag:$0x0] =	sbarrier.arrive $0xFFFF  }
.LBB2_2:
0x1d: {  	s23 =	sshll.u32 s22, $0xC  }
0x1e: {  	s23 =	sadd.s32 s8, s23  }
0x1f: {  	s24 =	sshrl.u32 s23, $0x3  }
0x20: {  	s23 =	simm.s32 $0x0;
	s25 =	sadd.s32 s6, s24  }
0x21: {  	[tilespmem:s15], [sflag:$0x7] =	stream.linear.gather [hbm4b:s25+s23], $0xC80, $0x38;
	[tilespmem:$0x1D080] =	vst v63  }
0x22: {  	_ =	swait.ge [sflag:s16], $0xC80  }
0x23: {  	[sflag:s16] =	ssyncset.done $0x0  }
0x24: {  	s31 =	sadd.s32 s7, s24;
	s24 =	simm.s32 $0x14880;
	[sflag:s16] =	ssyncadd.s32 $0xFFFFF380  }
0x25: {  	[tilespmem:s24], [sflag:$0x7] =	stream.linear.gather [hbm4b:s31+s23], $0xC80, $0x38;
	[tilespmem:$0x1D080] =	vst v63  }
0x26: {  	_ =	swait.ge [sflag:s16], $0xC80  }
0x27: {  	[sflag:s16] =	ssyncset.done $0x0  }
0x28: {  	[sflag:s16] =	ssyncadd.s32 $0xFFFFF380  }
0x29: {  	[tilespmem:s18], [sflag:$0x1] =	stream.indirect.gather [hbm4b:s5+s17], $0x80, s15, s17, $0xb8;
	[tilespmem:$0x1D080] =	vst v63  }
0x2a: {  	s25 =	simm.s32 $0x13980  }
0x2b: {  	[tilespmem:s20], [sflag:$0x2] =	stream.indirect.gather [hbm4b:s5+s17], $0x80, s19, s17, $0xb8;
	[tilespmem:$0x1D080] =	vst v63  }
.LBB2_3:
0x2c: {  	s26 =	smul.u32 $0xAB, s23;
	_ =	sdelay $0x1  }
0x2d: {  	s26 =	sshrl.u32 s26, $0x9  }
0x2e: {  	s26 =	sand.u32 $0x7F, s26  }
0x2f: {  	s26 =	smul.u32 $0x3, s26  }
0x30: {  	p1 =	seq.s32 s23, $0x0  }
0x31: {  	s28 =	sadd.s32 @!p1 $0xFFFFFFFF, s23;
	s26 =	ssub.s32 s23, s26  }
0x32: {  	s31 =	sand.u32 @!p1 $0xFF, s28;
	s26 =	sand.u32 $0xFF, s26  }
0x33: {  	s31 =	smul.u32 @!p1 $0xAB, s31;
	s30 =	sadd.s32 $0x1, s26  }
0x34: {  	s29 =	smul.u32 $0xA000, s26;
	_ =	swait.ge [sflag:s30], $0x2800  }
0x35: {  	[sflag:s30] =	ssyncset.done $0x0  }
0x36: {  	s29 =	sshrl.u32 s29, $0x2;
	[sflag:s30] =	ssyncadd.s32 $0xFFFFD800;
	s30 =	sshrl.u32 @!p1 s31, $0x9  }
0x37: {  	s26 =	sor.u32 $0x4, s26;
	s29 =	sadd.s32 $0x15880, s29;
	s30 =	smul.u32 @!p1 $0x3, s30  }
0x38: {  	[spmem:s2] =	stream.indirect.scatter.add.f32 [tilespmem:s29], [sflag:s26], $0x80, s24, s17, $0xb8;
	[tilespmem:$0x1D080] =	vst v63  }
0x39: {  	s26 =	ssub.s32 @!p1 s28, s30  }
0x3a: {  	s26 =	sor.u32 @!p1 $0x4, s26  }
0x3b: {  	s26 =	sand.u32 @!p1 $0xFF, s26  }
0x3c: {  	p2 =	sgt.u32 @!p1 s23, $0x16;
	_ =	swait.ge @!p1 [sflag:s26], $0x2800  }
0x3d: {  	p2 =	por p1, !p2;
	[sflag:s26] =	ssyncset.done @!p1 $0x0  }
0x3e: {  	[sflag:s26] =	ssyncadd.s32 @!p1 $0xFFFFD800;
	s26 =	sadd.s32 @p2 $0x2, s23  }
0x3f: {  	s28 =	smul.u32 @p2 $0xAB, s26;
	_ =	sdelay $0x1  }
0x40: {  	s28 =	sshrl.u32 @p2 s28, $0x9  }
0x41: {  	s28 =	sand.u32 @p2 $0x7F, s28  }
0x42: {  	s28 =	smul.u32 @p2 $0x3, s28;
	_ =	sdelay $0x1  }
0x43: {  	s26 =	ssub.s32 @p2 s26, s28  }
0x44: {  	s23 =	sadd.s32 $0x1, s23;
	s26 =	sand.u32 @p2 $0xFF, s26  }
0x45: {  	p1 =	sne.s32 s23, $0x19;
	s28 =	smul.u32 @p2 $0xA000, s26  }
.Ltmp0:
0x46: {  	_ = 	snop;
	(pc) =	sbr.rel @p1 .LBB2_3-.Ltmp0, $4  }
0x47: {  	s28 =	sshrl.u32 @p2 s28, $0x2  }
0x48: {  	s26 =	sadd.s32 @p2 $0x1, s26;
	s28 =	sadd.s32 @p2 $0x15880, s28  }
0x49: {  	[tilespmem:s28], [sflag:s26] =	stream.indirect.gather @p2 [hbm4b:s5+s17], $0x80, s25, s17, $0xb8;
	[tilespmem:$0x1D080] =	vst v63  }
0x4a: {  	s24 =	sadd.s32 $0x80, s24;
	s25 =	sadd.s32 $0x80, s25  }
0x4b: {  	s22 =	sadd.s32 $0x1, s22  }
0x4c: {  	p1 =	sne.s32 s22, $0x5  }
.Ltmp1:
0x4d: {  	_ = 	snop;
	(pc) =	sbr.rel @p1 .LBB2_2-.Ltmp1, $4  }
0x4e: {  	_ = 	snop  }
0x4f: {  	_ =	swait.ge [sflag:s21], $0x2800  }
0x50: {  	[sflag:s21] =	ssyncset.done $0x0  }
0x51: {  	[sflag:s21] =	ssyncadd.s32 $0xFFFFD800  }
0x52: {  	[bflag:$0x0] =	sbarrier.arrive $0xFFFF;
	s22 =	simm.s32 @p0 $0x1FC7  }
0x53: {  	[hbm:s10], [sflag:s22] =	dma.local @p0 [spmem:s12], $0x2080  }
0x54: {  	s22 =	simm.s32 @p0 $0x7  }
0x55: {  	s3 =	sadd.s32 $0x1, s3;
	_ =	swait.ge @p0 [sflag:s22], $0x2080  }
0x56: {  	p1 =	sne.s32 s3, s11;
	[sflag:s22] =	ssyncset.done @p0 $0x0  }
.Ltmp2:
0x57: {  	[sflag:s22] =	ssyncadd.s32 @p0 $0xFFFFDF80;
	s22 =	simm.s32 @!p0 $0x7;
	(pc) =	sbr.rel @p1 .LBB2_1-.Ltmp2, $4  }
0x58: {  	[hbm:s9], [sflag:s13] =	dma.local @!p0 [spmem:s14], $0x2780  }
0x59: {  	_ =	swait.ge @!p0 [sflag:s22], $0x2780  }
0x5a: {  	[sflag:s22] =	ssyncset.done @!p0 $0x0  }
0x5b: {  	[sflag:s22] =	ssyncadd.s32 @!p0 $0xFFFFD880  }
0x5c: {  	_ =	sfence.sel $0x180000  }
0x5d: {  	[bflag:$0x0] =	sbarrier.arrive $0xFFFF  }
0x5e: {  	p0 =	sne.s32 s4, $0x0;
	_ =	strace $0x9000004A  }
0x5f: {  	s0 =	sadd.s32 @!p0 $0x100000, s0;
	[bflag:$0x2] =	sbarrier.arrive $0xFFFF  }
0x60: {  	[sflag:s0] =	ssyncadd.tile.s32 @!p0 $0x1;
	_ =	shalt  }
.Lfunc_end2:
_tile_overlayer_lowered:
.L_overlay_start_2:
0x61: {  	(tag) =	ssettag $0x2  }
0x62: {  	s0 =	rddreg [dreg:$0x0];
	s2 =	stileid.u32  }
0x63: {  	s1 =	rddreg [dreg:$0x1];
	p0 =	sne.s32 s2, $0x0  }
0x64: {  	s3 =	rddreg [dreg:$0x2];
	[bflag:$0x3] =	sbarrier.arrive $0xFFFF;
	s2 =	simm.s32 @!p0 $0x1C07  }
0x65: {  	[timem:s3], [sflag:s2] =	dma.local @!p0 [hbm:s0], s1  }
0x66: {  	s0 =	simm.s32 @!p0 $0x7  }
0x67: {  	_ =	swait.ge @!p0 [sflag:s0], s1  }
0x68: {  	s1 =	ssub.s32 @!p0 $0x0, s1;
	[sflag:s0] =	ssyncset.done @!p0 $0x0  }
0x69: {  	[sflag:s0] =	ssyncadd.s32 @!p0 s1  }
0x6a: {  	[bflag:$0x3] =	sbarrier.arrive $0xFFFF  }
0x6b: {  	_ =	shalt  }

// kernel: kernel.15.cloned.1.call-start
scs
__scs_entry_jumppad:
0x0: {  	(pc) =	sbr.rel $0x88, $3  }
0x1: {  	(tag) =	ssettag $0x0;
	lr =	simm.s32 $0x1  }
0x2: {  	[smem:$0x3F9B] =	sst lr;
	_ =	strace $0xD0000000  }
0x3: {  	_ = 	snop  }
0x4: {  	_ = 	snop  }
0x5: {  	_ = 	snop  }
0x6: {  	_ = 	snop  }
0x7: {  	_ = 	snop  }
__scs_overlays_trampoline_lowered:
0x8: {  	[smem:$0x3FAA] =	sst s0  }
0x9: {  	[smem:$0x3FAB] =	sst s1  }
0xa: {  	[smem:$0x3FAC] =	sst s2  }
0xb: {  	[smem:$0x3FAD] =	sst s3  }
0xc: {  	[smem:$0x3FAE] =	sst s4  }
0xd: {  	[smem:$0x3FAF] =	sst s5  }
0xe: {  	[smem:$0x3FB0] =	sst s6  }
0xf: {  	[smem:$0x3FB1] =	sst s7  }
0x10: {  	[smem:$0x3FB2] =	sst s8  }
0x11: {  	[smem:$0x3FB3] =	sst s9;
	s0 =	simm.s32 @!p0 $0x0  }
0x12: {  	s1 =	sld [smem:$0x3F99];
	s0 =	simm.s32 @p0 $0x1  }
0x13: {  	[smem:$0x3FB4] =	sst s0;
	s0 =	simm.s32 @!p1 $0x0  }
0x14: {  	s2 =	sld [smem:$0x3F98];
	s0 =	simm.s32 @p1 $0x1  }
0x15: {  	[smem:$0x3FB5] =	sst s0;
	s0 =	simm.s32 @!p2 $0x0  }
0x16: {  	s3 =	sld [smem:$0x3FDB];
	s0 =	simm.s32 @p2 $0x1  }
0x17: {  	s4 =	simm.s32 $0x1BF5;
	[smem:$0x3FB7] =	sst s0  }
0x18: {  	s0 =	sld [smem:$0x3F9A];
	_ =	swait.ge [sflag:s4], $0x0  }
0x19: {  	s7 =	sld [smem:$0x3F9B]  }
0x1a: {  	s8 =	sadd.s32 $0xFFFFE003, lr  }
0x1b: {  	s9 =	sadd.s32 $0xFFFFFEF7, lr;
	s5 =	simm.s32 $0xFFFFFFFF;
	p2 =	slt.u32 s8, $0xFFFFF086  }
0x1c: {  	p1 =	slt.u32 s9, $0xF7A;
	s5 =	simm.s32 @!p2 $0x0  }
0x1d: {  	s5 =	simm.s32 @p1 $0x1;
	p0 =	seq.s32 s7, s2  }
0x1e: {  	s7 =	smul.u32 @!p0 $0xF7A, s2;
	p2 =	seq.s32 @!p0 s5, $0x0  }
0x1f: {  	s9 =	smul.u32 $0xF7A, s1;
	s8 =	simm.s32 @!p0 $0x1BF5;
	p2 =	por !p2, p0  }
0x20: {  	[sflag:s8] =	ssyncset.s32 @!p0 $0xFFFFF086;
	s6 =	sadd.s32 @!p0 s3, s7;
	s7 =	simm.s32 @!p0 $0x108  }
0x21: {  	s3 =	sadd.s32 s3, s9;
	s6 =	sadd.s32 @!p0 $0x88, s6;
	s7 =	simm.s32 @p2 $0x1082  }
0x22: {  	[simem:s7], [sflag:s8] =	dma.local @!p0 [hbm:s6], $0xF7A  }
0x23: {  	s9 =	sor.u32 $0xD0000000, s2;
	s6 =	simm.s32 $0x108;
	_ =	swait.ge @!p0 [sflag:s8], $0x0  }
0x24: {  	s3 =	sadd.s32 $0x88, s3;
	s6 =	simm.s32 @!p1 $0x1082;
	[sflag:s4] =	ssyncset.s32 $0xFFFFF086  }
0x25: {  	[simem:s6], [sflag:s4] =	dma.local [hbm:s3], $0xF7A  }
0x26: {  	[smem:$0x3F9B] =	sst s1;
	(tag) =	ssettag s2;
	_ =	strace s9  }
0x27: {  	s1 =	sld [smem:$0x3FAB]  }
0x28: {  	s2 =	sld [smem:$0x3FAC]  }
0x29: {  	s4 =	sld [smem:$0x3FAE]  }
0x2a: {  	p0 =	seq.s32 s5, $0x0;
	s5 =	sld [smem:$0x3FAF]  }
0x2b: {  	s6 =	sld [smem:$0x3FB0]  }
0x2c: {  	s7 =	sld [smem:$0x3FB1]  }
0x2d: {  	s3 =	simm.s32 $0x108;
	s8 =	sld [smem:$0x3FB2]  }
0x2e: {  	s3 =	simm.s32 @!p0 $0x1082;
	s9 =	sld [smem:$0x3FB3]  }
0x2f: {  	lr =	sadd.s32 s0, s3;
	s0 =	sld [smem:$0x3FAA]  }
0x30: {  	s3 =	sld [smem:$0x3FAD]  }
0x31: {  	[smem:$0x3FB6] =	sst s10  }
0x32: {  	s10 =	sld [smem:$0x3FB4];
	_ =	sdelay $0x3  }
0x33: {  	p0 =	seq.s32 s10, $0x1;
	s10 =	sld [smem:$0x3FB6];
	_ =	sdelay $0x3  }
0x34: {  	[smem:$0x3FB6] =	sst s10  }
0x35: {  	s10 =	sld [smem:$0x3FB5];
	_ =	sdelay $0x3  }
0x36: {  	p1 =	seq.s32 s10, $0x1;
	s10 =	sld [smem:$0x3FB6];
	_ =	sdelay $0x3  }
0x37: {  	[smem:$0x3FB6] =	sst s10  }
0x38: {  	s10 =	sld [smem:$0x3FB7]  }
0x39: {  	_ = 	snop;
	(pc) =	sbr.ind lr, $3  }
0x3a: {  	_ = 	snop  }
0x3b: {  	_ = 	snop  }
0x3c: {  	p2 =	seq.s32 s10, $0x1;
	s10 =	sld [smem:$0x3FB6]  }
0x3d: {  	_ =	shalt  }
0x3e: {  	_ =	shalt  }
0x3f: {  	_ =	shalt  }
0x40: {  	_ =	shalt  }
0x41: {  	_ =	shalt  }
0x42: {  	_ =	shalt  }
0x43: {  	_ =	shalt  }
0x44: {  	_ =	shalt  }
0x45: {  	_ =	shalt  }
0x46: {  	_ =	shalt  }
0x47: {  	_ =	shalt  }
0x48: {  	_ =	shalt  }
0x49: {  	_ =	shalt  }
0x4a: {  	_ =	shalt  }
0x4b: {  	_ =	shalt  }
0x4c: {  	_ =	shalt  }
0x4d: {  	_ =	shalt  }
0x4e: {  	_ =	shalt  }
0x4f: {  	_ =	shalt  }
0x50: {  	_ =	shalt  }
0x51: {  	_ =	shalt  }
0x52: {  	_ =	shalt  }
0x53: {  	_ =	shalt  }
0x54: {  	_ =	shalt  }
0x55: {  	_ =	shalt  }
0x56: {  	_ =	shalt  }
0x57: {  	_ =	shalt  }
0x58: {  	_ =	shalt  }
0x59: {  	_ =	shalt  }
0x5a: {  	_ =	shalt  }
0x5b: {  	_ =	shalt  }
0x5c: {  	_ =	shalt  }
0x5d: {  	_ =	shalt  }
0x5e: {  	_ =	shalt  }
0x5f: {  	_ =	shalt  }
0x60: {  	_ =	shalt  }
0x61: {  	_ =	shalt  }
0x62: {  	_ =	shalt  }
0x63: {  	_ =	shalt  }
0x64: {  	_ =	shalt  }
0x65: {  	_ =	shalt  }
0x66: {  	_ =	shalt  }
0x67: {  	_ =	shalt  }
0x68: {  	_ =	shalt  }
0x69: {  	_ =	shalt  }
0x6a: {  	_ =	shalt  }
0x6b: {  	_ =	shalt  }
0x6c: {  	_ =	shalt  }
0x6d: {  	_ =	shalt  }
0x6e: {  	_ =	shalt  }
0x6f: {  	_ =	shalt  }
0x70: {  	_ =	shalt  }
0x71: {  	_ =	shalt  }
0x72: {  	_ =	shalt  }
0x73: {  	_ =	shalt  }
0x74: {  	_ =	shalt  }
0x75: {  	_ =	shalt  }
0x76: {  	_ =	shalt  }
0x77: {  	_ =	shalt  }
0x78: {  	_ =	shalt  }
0x79: {  	_ =	shalt  }
0x7a: {  	_ =	shalt  }
0x7b: {  	_ =	shalt  }
0x7c: {  	_ =	shalt  }
0x7d: {  	_ =	shalt  }
0x7e: {  	_ =	shalt  }
0x7f: {  	_ =	shalt  }
0x80: {  	_ =	shalt  }
0x81: {  	_ =	shalt  }
0x82: {  	_ =	shalt  }
0x83: {  	_ =	shalt  }
0x84: {  	_ =	shalt  }
0x85: {  	_ =	shalt  }
0x86: {  	_ =	shalt  }
0x87: {  	_ =	shalt  }
.Lfunc_end0:
.L_simem_size_0:
called_computation.2_lowered:
.L_overlay_start_0:
0x88: {  	s2 =	sld [smem:$0x3FD9]  }
0x89: {  	s3 =	sld [smem:$0x3FFE];
	_ =	sdelay $0x1  }
0x8a: {  	s1 =	srdreg.scid  }
0x8b: {  	s0 =	sand.u32 $0x1, s1  }
0x8c: {  	s17 =	sshll.u32 s0, $0xA;
	s2 =	sadd.s32 s3, s2  }
0x8d: {  	s2 =	sadd.s32 s2, s17  }
0x8e: {  	[smem:$0x3FC2] =	sst s2  }
0x8f: {  	_ = 	snop  }
0x90: {  	s2 =	sld [smem:$0x3FD0];
	(tm) =	ssettm $0x1  }
0x91: {  	s18 =	sld [smem:$0x3FFB];
	_ =	sdelay $0x3  }
0x92: {  	_ =	strace s18  }
0x93: {  	s3 =	sld [smem:$0x3FFC];
	_ =	sdelay $0x3  }
0x94: {  	_ =	strace s3  }
0x95: {  	s3 =	sld [smem:$0x3FFD];
	_ =	sdelay $0x3  }
0x96: {  	_ =	strace s3  }
0x97: {  	_ =	strace $0x8FFFFFFF  }
0x98: {  	s19 =	sld [smem:$0x3FDB];
	_ =	sdelay $0x1  }
0x99: {  	s4 =	simm.s32 $_scs_section_size  }
0x9a: {  	s5 =	simm.s32 $_size__tile_overlayer_lowered;
	s6 =	simm.s32 $_tile_overlayer_lowered  }
0x9b: {  	s22 =	simm.s32 $0x1BFF;
	s21 =	sshll.u32 s6, $0x1;
	s3 =	sadd.s32 s4, s19  }
0x9c: {  	s7 =	simm.s32 $0x0;
	s20 =	sshll.u32 s5, $0x1;
	s5 =	sadd.s32 s21, s3  }
0x9d: {  	[timem:s7], [sflag:s22] =	dma.local [hbm:s5], s20  }
0x9e: {  	_ =	swait.ge [sflag:s22], s20  }
0x9f: {  	s4 =	ssub.s32 $0x0, s20;
	[sflag:s22] =	ssyncset.done $0x0  }
0xa0: {  	[sflag:s22] =	ssyncadd.s32 s4;
	_ =	sdelay $0x1  }
0xa1: {  	s23 =	simm.s32 $0x1B8B  }
0xa2: {  	_ =	swait.ge [sflag:s23], $0x1  }
0xa3: {  	[sflag:s23] =	ssyncset.done $0x0  }
0xa4: {  	s25 =	simm.s32 $0x1B8E;
	s24 =	sld [smem:$0x3FFE];
	[sflag:s23] =	ssyncadd.s32 $0xFFFFFFFF  }
0xa5: {  	s26 =	simm.s32 $execute0_lowered;
	[smem:$0x3FD2] =	sst s25  }
0xa6: {  	s5 =	sshll.u32 s26, $0x1;
	_ =	strace $0x8000004C;
	[dreg:$0x1] =	wrdreg $0xFFFFFFFF  }
0xa7: {  	s28 =	simm.s32 $_size_execute0_lowered;
	s3 =	sadd.s32 s3, s5;
	[dreg:$0x0] =	wrdreg $0x0  }
0xa8: {  	s5 =	sshll.u32 s28, $0x1;
	[dreg:$0x2] =	wrdreg s3  }
0xa9: {  	[dreg:$0x3] =	wrdreg s5  }
0xaa: {  	[dreg:$0x4] =	wrdreg $0xC0  }
0xab: {  	_ =	task [dreg:s7], $0x5FFFF  }
0xac: {  	[dreg:$0x1] =	wrdreg $0xFFFFFFFF  }
0xad: {  	[dreg:$0x0] =	wrdreg $0x60  }
0xae: {  	[dreg:$0x2] =	wrdreg s24  }
0xaf: {  	[dreg:$0x3] =	wrdreg s2  }
0xb0: {  	[dreg:$0x4] =	wrdreg $0x0  }
0xb1: {  	[dreg:$0x5] =	wrdreg $0x9C400  }
0xb2: {  	[dreg:$0x6] =	wrdreg $0x9  }
0xb3: {  	_ =	task.clear_ibuf [dreg:s7], $0x7FFFF;
	_ =	strace $0x9000004C  }
0xb4: {  	s29 =	simm.s32 $0x9;
	_ =	strace $0x8000004E  }
0xb5: {  	_ =	swait.ge [sflag:s29], $0x1  }
0xb6: {  	[sflag:s29] =	ssyncadd.s32 $0xFFFFFFFF  }
0xb7: {  	_ =	strace $0x9000004E  }
0xb8: {  	_ =	sfence  }
0xb9: {  	s30 =	sld [smem:$0x0];
	_ =	sdelay $0x2  }
0xba: {  	s31 =	sshll.u32 s1, $0xD;
	s1 =	sshrl.u32 s1, $0x2  }
0xbb: {  	s3 =	sand.u32 $0x4000, s31;
	s1 =	sadd.s32 s1, s30  }
0xbc: {  	s0 =	sor.u32 s3, s0;
	s1 =	sshll.u32 s1, $0x11  }
0xbd: {  	s0 =	sor.u32 s1, s0  }
0xbe: {  	s0 =	sadd.s32 $0x8F2B, s0  }
0xbf: {  	[sflag:s0] =	ssyncadd.remote.s32 $0x1  }
0xc0: {  	_ =	sfence.sel $0xFFFF  }
0xc1: {  	[dreg:$0x0] =	wrdreg $0xFFFFFFFF;
	(pc) =	sbr.abs _section_cstart, $3  }
0xc2: {  	[dreg:$0x1] =	wrdreg $0xFFFFFFFF  }
0xc3: {  	_ =	task.clear_ibuf [dreg:s7], $0x2FFFF;
	_ =	strace $0x9FFFFFFF  }
0xc4: {  	(tm) =	ssettm $0x7FFFFFFF  }
0xc5: {  	_ =	shalt  }
tec
execute0_lowered:
.L_overlay_start_1:
0x0: {  	(tag) =	ssettag $0x1  }
0x1: {  	s9 =	rddreg [dreg:$0x0]  }
0x2: {  	s3 =	rddreg [dreg:$0x2]  }
0x3: {  	s4 =	rddreg [dreg:$0x3];
	s0 =	stileid.u32  }
0x4: {  	s5 =	simm.s32 $0x0;
	s7 =	srdreg.scid;
	s21 =	simm.s32 $0x50  }
0x5: {  	s22 =	simm.s32 $0x15880;
	s23 =	simm.s32 $0x13900;
	s24 =	simm.s32 $0x18080  }
0x6: {  	s6 =	smul.u32 $0x2780, s0;
	[smem:$0x7FF] =	sst s5;
	s8 =	sand.u32 $0x1, s7  }
0x7: {  	s13 =	smul.u32 $0x4F000, s0;
	s7 =	sadd.s32 $0x60600, s9;
	s14 =	sadd.s32 $0x88600, s9  }
0x8: {  	s25 =	sshll.u32 s0, $0x1;
	s19 =	sadd.s32 $0x128400, s4;
	s20 =	sadd.s32 $0x128400, s3  }
0x9: {  	s16 =	smul.u32 $0x13C00, s0;
	p0 =	seq.s32 s0, $0xF;
	_ =	strace $0x8000004D  }
0xa: {  	s11 =	ssub.s32 $0x2, s8;
	s28 =	smul.u32 $0x138800, s8;
	s10 =	sadd.s32 s6, s9  }
0xb: {  	s6 =	sadd.s32 $0x74600, s9;
	s12 =	sshrl.u32 s11, $0x1;
	s26 =	sshrl.u32 s13, $0x2  }
0xc: {  	s9 =	sadd.s32 $0x26E80, s9;
	s15 =	ssub.s32 s11, s12;
	s11 =	sor.u32 s8, s25  }
0xd: {  	s17 =	sadd.s32 s26, s4;
	s18 =	sadd.s32 s26, s3;
	s1 =	sadd.s32 $0x1E00, s10  }
0xe: {  	s29 =	sadd.s32 s16, s28;
	s31 =	sshrl.u32 s28, $0x3;
	s16 =	sshll.u32 @!p0 s0, $0x6  }
0xf: {  	s25 =	simm.s32 $0x4;
	[dreg:$0x5] =	wrdreg s1;
	s10 =	smul.u32 $0x5000, s11  }
0x10: {  	s30 =	sshrl.u32 s29, $0x3;
	s12 =	sadd.s32 s14, s31;
	s13 =	smax.u32 s15, $0x1  }
0x11: {  	s15 =	sshrl.u32 @p0 s20, $0x3;
	s16 =	sor.u32 @!p0 $0x1C07, s16;
	s17 =	sshrl.u32 @!p0 s17, $0x3  }
0x12: {  	s18 =	sshrl.u32 @!p0 s18, $0x3;
	s20 =	simm.s32 $0x7;
	s11 =	sadd.s32 s14, s30  }
0x13: {  	s12 =	sadd.s32 $0x25080, s12;
	s14 =	sshrl.u32 @p0 s19, $0x3;
	s19 =	simm.s32 $0x13880  }
.LBB2_1:
0x14: {  	s26 =	simm.s32 @p0 $0x1FC7;
	s0 =	rddreg [dreg:$0x1];
	s28 =	simm.s32 @p0 $0x7  }
0x15: {  	[spmem:s14], [sflag:s26] =	dma.local @p0 [hbm:s0], $0x2080  }
0x16: {  	_ =	swait.ge @p0 [sflag:s28], $0x2080  }
0x17: {  	[sflag:s28] =	ssyncset.done @p0 $0x0  }
0x18: {  	[sflag:s28] =	ssyncadd.s32 @p0 $0xFFFFDF80  }
0x19: {  	[spmem:s15], [sflag:s26] =	dma.local @p0 [hbm:s9], $0x2080  }
0x1a: {  	_ =	swait.ge @p0 [sflag:s28], $0x2080  }
0x1b: {  	[sflag:s28] =	ssyncset.done @p0 $0x0  }
0x1c: {  	s26 =	simm.s32 @!p0 $0x7;
	[sflag:s28] =	ssyncadd.s32 @p0 $0xFFFFDF80  }
0x1d: {  	[spmem:s17], [sflag:s16] =	dma.local @!p0 [hbm:s0], $0x2780  }
0x1e: {  	_ =	swait.ge @!p0 [sflag:s26], $0x2780  }
0x1f: {  	[sflag:s26] =	ssyncset.done @!p0 $0x0  }
0x20: {  	s0 =	rddreg [dreg:$0x5];
	[sflag:s26] =	ssyncadd.s32 @!p0 $0xFFFFD880  }
0x21: {  	[spmem:s18], [sflag:s16] =	dma.local @!p0 [hbm:s0], $0x2780  }
0x22: {  	_ =	swait.ge @!p0 [sflag:s26], $0x2780  }
0x23: {  	[sflag:s26] =	ssyncset.done @!p0 $0x0  }
0x24: {  	[sflag:s26] =	ssyncadd.s32 @!p0 $0xFFFFD880  }
0x25: {  	s26 =	simm.s32 $0x0;
	[bflag:$0x0] =	sbarrier.arrive $0xFFFF  }
.LBB2_2:
0x26: {  	s28 =	sshll.u32 s26, $0xC  }
0x27: {  	s28 =	sadd.s32 s10, s28  }
0x28: {  	s29 =	sshrl.u32 s28, $0x3  }
0x29: {  	s28 =	simm.s32 $0x0;
	s30 =	sadd.s32 s6, s29  }
0x2a: {  	[tilespmem:s19], [sflag:$0x7] =	stream.linear.gather [hbm4b:s30+s28], $0xC80, $0x38;
	[tilespmem:$0x1D080] =	vst v63  }
0x2b: {  	_ =	swait.ge [sflag:s20], $0xC80  }
0x2c: {  	[sflag:s20] =	ssyncset.done $0x0  }
0x2d: {  	s30 =	sadd.s32 s7, s29;
	s29 =	simm.s32 $0x14880;
	[sflag:s20] =	ssyncadd.s32 $0xFFFFF380  }
0x2e: {  	[tilespmem:s29], [sflag:$0x7] =	stream.linear.gather [hbm4b:s30+s28], $0xC80, $0x38;
	[tilespmem:$0x1D080] =	vst v63  }
0x2f: {  	_ =	swait.ge [sflag:s20], $0xC80  }
0x30: {  	[sflag:s20] =	ssyncset.done $0x0  }
0x31: {  	[sflag:s20] =	ssyncadd.s32 $0xFFFFF380  }
0x32: {  	[tilespmem:s22], [sflag:$0x1] =	stream.indirect.gather [spmem:s3], $0x40, s19, s21, $0xb8;
	[tilespmem:$0x1D080] =	vst v63  }
0x33: {  	s30 =	simm.s32 $0x13980  }
0x34: {  	[tilespmem:s24], [sflag:$0x2] =	stream.indirect.gather [spmem:s3], $0x40, s23, s21, $0xb8;
	[tilespmem:$0x1D080] =	vst v63  }
.LBB2_3:
0x35: {  	s31 =	smul.u32 $0xAB, s28;
	_ =	sdelay $0x1  }
0x36: {  	s31 =	sshrl.u32 s31, $0x9  }
0x37: {  	s31 =	sand.u32 $0x7F, s31  }
0x38: {  	s31 =	smul.u32 $0x3, s31  }
0x39: {  	p1 =	seq.s32 s28, $0x0  }
0x3a: {  	s0 =	sadd.s32 @!p1 $0xFFFFFFFF, s28;
	s31 =	ssub.s32 s28, s31  }
0x3b: {  	s8 =	sand.u32 @!p1 $0xFF, s0;
	s31 =	sand.u32 $0xFF, s31  }
0x3c: {  	s8 =	smul.u32 @!p1 $0xAB, s8;
	s2 =	sadd.s32 $0x1, s31  }
0x3d: {  	s1 =	smul.u32 $0xA000, s31;
	_ =	swait.ge [sflag:s2], $0x1400  }
0x3e: {  	[sflag:s2] =	ssyncset.done $0x0  }
0x3f: {  	s1 =	sshrl.u32 s1, $0x2;
	[sflag:s2] =	ssyncadd.s32 $0xFFFFEC00;
	s2 =	sshrl.u32 @!p1 s8, $0x9  }
0x40: {  	s31 =	sor.u32 $0x4, s31;
	s1 =	sadd.s32 $0x15880, s1;
	s2 =	smul.u32 @!p1 $0x3, s2  }
0x41: {  	[spmem:s4] =	stream.indirect.scatter.add.f32 [tilespmem:s1], [sflag:s31], $0x40, s29, s21, $0xb8;
	[tilespmem:$0x1D080] =	vst v63  }
0x42: {  	s0 =	ssub.s32 @!p1 s0, s2  }
0x43: {  	s0 =	sor.u32 @!p1 $0x4, s0  }
0x44: {  	s0 =	sand.u32 @!p1 $0xFF, s0  }
0x45: {  	p2 =	sgt.u32 @!p1 s28, $0x16;
	_ =	swait.ge @!p1 [sflag:s0], $0x1400  }
0x46: {  	p2 =	por p1, !p2;
	[sflag:s0] =	ssyncset.done @!p1 $0x0  }
0x47: {  	[sflag:s0] =	ssyncadd.s32 @!p1 $0xFFFFEC00;
	s0 =	sadd.s32 @p2 $0x2, s28  }
0x48: {  	s1 =	smul.u32 @p2 $0xAB, s0;
	_ =	sdelay $0x1  }
0x49: {  	s1 =	sshrl.u32 @p2 s1, $0x9  }
0x4a: {  	s1 =	sand.u32 @p2 $0x7F, s1  }
0x4b: {  	s1 =	smul.u32 @p2 $0x3, s1;
	_ =	sdelay $0x1  }
0x4c: {  	s0 =	ssub.s32 @p2 s0, s1  }
0x4d: {  	s28 =	sadd.s32 $0x1, s28;
	s0 =	sand.u32 @p2 $0xFF, s0  }
0x4e: {  	p1 =	sne.s32 s28, $0x19;
	s1 =	smul.u32 @p2 $0xA000, s0  }
.Ltmp0:
0x4f: {  	_ = 	snop;
	(pc) =	sbr.rel @p1 .LBB2_3-.Ltmp0, $4  }
0x50: {  	s1 =	sshrl.u32 @p2 s1, $0x2  }
0x51: {  	s0 =	sadd.s32 @p2 $0x1, s0;
	s1 =	sadd.s32 @p2 $0x15880, s1  }
0x52: {  	[tilespmem:s1], [sflag:s0] =	stream.indirect.gather @p2 [spmem:s3], $0x40, s30, s21, $0xb8;
	[tilespmem:$0x1D080] =	vst v63  }
0x53: {  	s29 =	sadd.s32 $0x80, s29;
	s30 =	sadd.s32 $0x80, s30  }
0x54: {  	s26 =	sadd.s32 $0x1, s26  }
0x55: {  	p1 =	sne.s32 s26, $0x5  }
.Ltmp1:
0x56: {  	_ = 	snop;
	(pc) =	sbr.rel @p1 .LBB2_2-.Ltmp1, $4  }
0x57: {  	_ = 	snop  }
0x58: {  	_ =	swait.ge [sflag:s25], $0x1400  }
0x59: {  	[sflag:s25] =	ssyncset.done $0x0  }
0x5a: {  	[sflag:s25] =	ssyncadd.s32 $0xFFFFEC00  }
0x5b: {  	[bflag:$0x0] =	sbarrier.arrive $0xFFFF;
	s0 =	simm.s32 @p0 $0x1FC7  }
0x5c: {  	[hbm:s12], [sflag:s0] =	dma.local @p0 [spmem:s14], $0x2080  }
0x5d: {  	s0 =	simm.s32 @p0 $0x7  }
0x5e: {  	s5 =	sadd.s32 $0x1, s5;
	_ =	swait.ge @p0 [sflag:s0], $0x2080  }
0x5f: {  	p1 =	sne.s32 s5, s13;
	[sflag:s0] =	ssyncset.done @p0 $0x0  }
.Ltmp2:
0x60: {  	[sflag:s0] =	ssyncadd.s32 @p0 $0xFFFFDF80;
	s0 =	simm.s32 @!p0 $0x7;
	(pc) =	sbr.rel @p1 .LBB2_1-.Ltmp2, $4  }
0x61: {  	[hbm:s11], [sflag:s16] =	dma.local @!p0 [spmem:s17], $0x2780  }
0x62: {  	_ =	swait.ge @!p0 [sflag:s0], $0x2780  }
0x63: {  	[sflag:s0] =	ssyncset.done @!p0 $0x0  }
0x64: {  	[sflag:s0] =	ssyncadd.s32 @!p0 $0xFFFFD880  }
0x65: {  	_ =	sfence.sel $0x180000  }
0x66: {  	[bflag:$0x0] =	sbarrier.arrive $0xFFFF  }
0x67: {  	_ =	strace $0x9000004D  }
0x68: {  	s0 =	stileid.u32;
	[bflag:$0x2] =	sbarrier.arrive $0xFFFF  }
0x69: {  	p0 =	sne.s32 s0, $0x0;
	s0 =	rddreg [dreg:$0x4]  }
0x6a: {  	s0 =	sadd.s32 @!p0 $0x100000, s0  }
0x6b: {  	[sflag:s0] =	ssyncadd.tile.s32 @!p0 $0x1;
	_ =	shalt  }
.Lfunc_end2:
_tile_overlayer_lowered:
.L_overlay_start_2:
0x6c: {  	(tag) =	ssettag $0x2  }
0x6d: {  	s0 =	rddreg [dreg:$0x0];
	s2 =	stileid.u32  }
0x6e: {  	s1 =	rddreg [dreg:$0x1];
	p0 =	sne.s32 s2, $0x0  }
0x6f: {  	s3 =	rddreg [dreg:$0x2];
	[bflag:$0x3] =	sbarrier.arrive $0xFFFF;
	s2 =	simm.s32 @!p0 $0x1C07  }
0x70: {  	[timem:s3], [sflag:s2] =	dma.local @!p0 [hbm:s0], s1  }
0x71: {  	s0 =	simm.s32 @!p0 $0x7  }
0x72: {  	_ =	swait.ge @!p0 [sflag:s0], s1  }
0x73: {  	s1 =	ssub.s32 @!p0 $0x0, s1;
	[sflag:s0] =	ssyncset.done @!p0 $0x0  }
0x74: {  	[sflag:s0] =	ssyncadd.s32 @!p0 s1  }
0x75: {  	[bflag:$0x3] =	sbarrier.arrive $0xFFFF  }
0x76: {  	_ =	shalt  }

// kernel: kernel.9.cloned.1.call-start
scs
__scs_entry_jumppad:
0x0: {  	(pc) =	sbr.rel $0x88, $3  }
0x1: {  	(tag) =	ssettag $0x0;
	lr =	simm.s32 $0x1  }
0x2: {  	[smem:$0x3F9B] =	sst lr;
	_ =	strace $0xD0000000  }
0x3: {  	_ = 	snop  }
0x4: {  	_ = 	snop  }
0x5: {  	_ = 	snop  }
0x6: {  	_ = 	snop  }
0x7: {  	_ = 	snop  }
__scs_overlays_trampoline_lowered:
0x8: {  	[smem:$0x3FAA] =	sst s0  }
0x9: {  	[smem:$0x3FAB] =	sst s1  }
0xa: {  	[smem:$0x3FAC] =	sst s2  }
0xb: {  	[smem:$0x3FAD] =	sst s3  }
0xc: {  	[smem:$0x3FAE] =	sst s4  }
0xd: {  	[smem:$0x3FAF] =	sst s5  }
0xe: {  	[smem:$0x3FB0] =	sst s6  }
0xf: {  	[smem:$0x3FB1] =	sst s7  }
0x10: {  	[smem:$0x3FB2] =	sst s8  }
0x11: {  	[smem:$0x3FB3] =	sst s9;
	s0 =	simm.s32 @!p0 $0x0  }
0x12: {  	s1 =	sld [smem:$0x3F99];
	s0 =	simm.s32 @p0 $0x1  }
0x13: {  	[smem:$0x3FB4] =	sst s0;
	s0 =	simm.s32 @!p1 $0x0  }
0x14: {  	s2 =	sld [smem:$0x3F98];
	s0 =	simm.s32 @p1 $0x1  }
0x15: {  	[smem:$0x3FB5] =	sst s0;
	s0 =	simm.s32 @!p2 $0x0  }
0x16: {  	s3 =	sld [smem:$0x3FDB];
	s0 =	simm.s32 @p2 $0x1  }
0x17: {  	s4 =	simm.s32 $0x1BF5;
	[smem:$0x3FB7] =	sst s0  }
0x18: {  	s0 =	sld [smem:$0x3F9A];
	_ =	swait.ge [sflag:s4], $0x0  }
0x19: {  	s7 =	sld [smem:$0x3F9B]  }
0x1a: {  	s8 =	sadd.s32 $0xFFFFE003, lr  }
0x1b: {  	s9 =	sadd.s32 $0xFFFFFEF7, lr;
	s5 =	simm.s32 $0xFFFFFFFF;
	p2 =	slt.u32 s8, $0xFFFFF086  }
0x1c: {  	p1 =	slt.u32 s9, $0xF7A;
	s5 =	simm.s32 @!p2 $0x0  }
0x1d: {  	s5 =	simm.s32 @p1 $0x1;
	p0 =	seq.s32 s7, s2  }
0x1e: {  	s7 =	smul.u32 @!p0 $0xF7A, s2;
	p2 =	seq.s32 @!p0 s5, $0x0  }
0x1f: {  	s9 =	smul.u32 $0xF7A, s1;
	s8 =	simm.s32 @!p0 $0x1BF5;
	p2 =	por !p2, p0  }
0x20: {  	[sflag:s8] =	ssyncset.s32 @!p0 $0xFFFFF086;
	s6 =	sadd.s32 @!p0 s3, s7;
	s7 =	simm.s32 @!p0 $0x108  }
0x21: {  	s3 =	sadd.s32 s3, s9;
	s6 =	sadd.s32 @!p0 $0x88, s6;
	s7 =	simm.s32 @p2 $0x1082  }
0x22: {  	[simem:s7], [sflag:s8] =	dma.local @!p0 [hbm:s6], $0xF7A  }
0x23: {  	s9 =	sor.u32 $0xD0000000, s2;
	s6 =	simm.s32 $0x108;
	_ =	swait.ge @!p0 [sflag:s8], $0x0  }
0x24: {  	s3 =	sadd.s32 $0x88, s3;
	s6 =	simm.s32 @!p1 $0x1082;
	[sflag:s4] =	ssyncset.s32 $0xFFFFF086  }
0x25: {  	[simem:s6], [sflag:s4] =	dma.local [hbm:s3], $0xF7A  }
0x26: {  	[smem:$0x3F9B] =	sst s1;
	(tag) =	ssettag s2;
	_ =	strace s9  }
0x27: {  	s1 =	sld [smem:$0x3FAB]  }
0x28: {  	s2 =	sld [smem:$0x3FAC]  }
0x29: {  	s4 =	sld [smem:$0x3FAE]  }
0x2a: {  	p0 =	seq.s32 s5, $0x0;
	s5 =	sld [smem:$0x3FAF]  }
0x2b: {  	s6 =	sld [smem:$0x3FB0]  }
0x2c: {  	s7 =	sld [smem:$0x3FB1]  }
0x2d: {  	s3 =	simm.s32 $0x108;
	s8 =	sld [smem:$0x3FB2]  }
0x2e: {  	s3 =	simm.s32 @!p0 $0x1082;
	s9 =	sld [smem:$0x3FB3]  }
0x2f: {  	lr =	sadd.s32 s0, s3;
	s0 =	sld [smem:$0x3FAA]  }
0x30: {  	s3 =	sld [smem:$0x3FAD]  }
0x31: {  	[smem:$0x3FB6] =	sst s10  }
0x32: {  	s10 =	sld [smem:$0x3FB4];
	_ =	sdelay $0x3  }
0x33: {  	p0 =	seq.s32 s10, $0x1;
	s10 =	sld [smem:$0x3FB6];
	_ =	sdelay $0x3  }
0x34: {  	[smem:$0x3FB6] =	sst s10  }
0x35: {  	s10 =	sld [smem:$0x3FB5];
	_ =	sdelay $0x3  }
0x36: {  	p1 =	seq.s32 s10, $0x1;
	s10 =	sld [smem:$0x3FB6];
	_ =	sdelay $0x3  }
0x37: {  	[smem:$0x3FB6] =	sst s10  }
0x38: {  	s10 =	sld [smem:$0x3FB7]  }
0x39: {  	_ = 	snop;
	(pc) =	sbr.ind lr, $3  }
0x3a: {  	_ = 	snop  }
0x3b: {  	_ = 	snop  }
0x3c: {  	p2 =	seq.s32 s10, $0x1;
	s10 =	sld [smem:$0x3FB6]  }
0x3d: {  	_ =	shalt  }
0x3e: {  	_ =	shalt  }
0x3f: {  	_ =	shalt  }
0x40: {  	_ =	shalt  }
0x41: {  	_ =	shalt  }
0x42: {  	_ =	shalt  }
0x43: {  	_ =	shalt  }
0x44: {  	_ =	shalt  }
0x45: {  	_ =	shalt  }
0x46: {  	_ =	shalt  }
0x47: {  	_ =	shalt  }
0x48: {  	_ =	shalt  }
0x49: {  	_ =	shalt  }
0x4a: {  	_ =	shalt  }
0x4b: {  	_ =	shalt  }
0x4c: {  	_ =	shalt  }
0x4d: {  	_ =	shalt  }
0x4e: {  	_ =	shalt  }
0x4f: {  	_ =	shalt  }
0x50: {  	_ =	shalt  }
0x51: {  	_ =	shalt  }
0x52: {  	_ =	shalt  }
0x53: {  	_ =	shalt  }
0x54: {  	_ =	shalt  }
0x55: {  	_ =	shalt  }
0x56: {  	_ =	shalt  }
0x57: {  	_ =	shalt  }
0x58: {  	_ =	shalt  }
0x59: {  	_ =	shalt  }
0x5a: {  	_ =	shalt  }
0x5b: {  	_ =	shalt  }
0x5c: {  	_ =	shalt  }
0x5d: {  	_ =	shalt  }
0x5e: {  	_ =	shalt  }
0x5f: {  	_ =	shalt  }
0x60: {  	_ =	shalt  }
0x61: {  	_ =	shalt  }
0x62: {  	_ =	shalt  }
0x63: {  	_ =	shalt  }
0x64: {  	_ =	shalt  }
0x65: {  	_ =	shalt  }
0x66: {  	_ =	shalt  }
0x67: {  	_ =	shalt  }
0x68: {  	_ =	shalt  }
0x69: {  	_ =	shalt  }
0x6a: {  	_ =	shalt  }
0x6b: {  	_ =	shalt  }
0x6c: {  	_ =	shalt  }
0x6d: {  	_ =	shalt  }
0x6e: {  	_ =	shalt  }
0x6f: {  	_ =	shalt  }
0x70: {  	_ =	shalt  }
0x71: {  	_ =	shalt  }
0x72: {  	_ =	shalt  }
0x73: {  	_ =	shalt  }
0x74: {  	_ =	shalt  }
0x75: {  	_ =	shalt  }
0x76: {  	_ =	shalt  }
0x77: {  	_ =	shalt  }
0x78: {  	_ =	shalt  }
0x79: {  	_ =	shalt  }
0x7a: {  	_ =	shalt  }
0x7b: {  	_ =	shalt  }
0x7c: {  	_ =	shalt  }
0x7d: {  	_ =	shalt  }
0x7e: {  	_ =	shalt  }
0x7f: {  	_ =	shalt  }
0x80: {  	_ =	shalt  }
0x81: {  	_ =	shalt  }
0x82: {  	_ =	shalt  }
0x83: {  	_ =	shalt  }
0x84: {  	_ =	shalt  }
0x85: {  	_ =	shalt  }
0x86: {  	_ =	shalt  }
0x87: {  	_ =	shalt  }
.Lfunc_end0:
.L_simem_size_0:
called_computation_lowered:
.L_overlay_start_0:
0x88: {  	s2 =	sld [smem:$0x3FD9]  }
0x89: {  	s3 =	sld [smem:$0x3FFE];
	_ =	sdelay $0x1  }
0x8a: {  	s1 =	srdreg.scid  }
0x8b: {  	s0 =	sand.u32 $0x1, s1  }
0x8c: {  	s17 =	sshll.u32 s0, $0xA;
	s2 =	sadd.s32 s3, s2  }
0x8d: {  	s2 =	sadd.s32 s2, s17  }
0x8e: {  	[smem:$0x3FC2] =	sst s2  }
0x8f: {  	_ = 	snop  }
0x90: {  	s2 =	sld [smem:$0x3FD0];
	(tm) =	ssettm $0x1  }
0x91: {  	s18 =	sld [smem:$0x3FFB];
	_ =	sdelay $0x3  }
0x92: {  	_ =	strace s18  }
0x93: {  	s3 =	sld [smem:$0x3FFC];
	_ =	sdelay $0x3  }
0x94: {  	_ =	strace s3  }
0x95: {  	s3 =	sld [smem:$0x3FFD];
	_ =	sdelay $0x3  }
0x96: {  	_ =	strace s3  }
0x97: {  	_ =	strace $0x8FFFFFFF  }
0x98: {  	s19 =	sld [smem:$0x3FDB];
	_ =	sdelay $0x1  }
0x99: {  	s4 =	simm.s32 $_scs_section_size  }
0x9a: {  	s5 =	simm.s32 $_size__tile_overlayer_lowered;
	s6 =	simm.s32 $_tile_overlayer_lowered  }
0x9b: {  	s22 =	simm.s32 $0x1BFF;
	s21 =	sshll.u32 s6, $0x1;
	s3 =	sadd.s32 s4, s19  }
0x9c: {  	s7 =	simm.s32 $0x0;
	s20 =	sshll.u32 s5, $0x1;
	s5 =	sadd.s32 s21, s3  }
0x9d: {  	[timem:s7], [sflag:s22] =	dma.local [hbm:s5], s20  }
0x9e: {  	_ =	swait.ge [sflag:s22], s20  }
0x9f: {  	s4 =	ssub.s32 $0x0, s20;
	[sflag:s22] =	ssyncset.done $0x0  }
0xa0: {  	[sflag:s22] =	ssyncadd.s32 s4;
	_ =	sdelay $0x1  }
0xa1: {  	s23 =	simm.s32 $0x1B8B  }
0xa2: {  	_ =	swait.ge [sflag:s23], $0x1  }
0xa3: {  	[sflag:s23] =	ssyncset.done $0x0  }
0xa4: {  	s25 =	simm.s32 $0x1B8E;
	s24 =	sld [smem:$0x3FFE];
	[sflag:s23] =	ssyncadd.s32 $0xFFFFFFFF  }
0xa5: {  	s26 =	simm.s32 $execute0_lowered;
	[smem:$0x3FD2] =	sst s25  }
0xa6: {  	s5 =	sshll.u32 s26, $0x1;
	_ =	strace $0x80000046;
	[dreg:$0x1] =	wrdreg $0xFFFFFFFF  }
0xa7: {  	s28 =	simm.s32 $_size_execute0_lowered;
	s3 =	sadd.s32 s3, s5;
	[dreg:$0x0] =	wrdreg $0x0  }
0xa8: {  	s5 =	sshll.u32 s28, $0x1;
	[dreg:$0x2] =	wrdreg s3  }
0xa9: {  	[dreg:$0x3] =	wrdreg s5  }
0xaa: {  	[dreg:$0x4] =	wrdreg $0xC0  }
0xab: {  	_ =	task [dreg:s7], $0x5FFFF  }
0xac: {  	[dreg:$0x1] =	wrdreg $0xFFFFFFFF  }
0xad: {  	[dreg:$0x0] =	wrdreg $0x60  }
0xae: {  	[dreg:$0x2] =	wrdreg s24  }
0xaf: {  	[dreg:$0x3] =	wrdreg s2  }
0xb0: {  	[dreg:$0x4] =	wrdreg $0x0  }
0xb1: {  	[dreg:$0x5] =	wrdreg $0x9  }
0xb2: {  	_ =	task.clear_ibuf [dreg:s7], $0x6FFFF;
	_ =	strace $0x90000046  }
0xb3: {  	s29 =	simm.s32 $0x9;
	_ =	strace $0x80000048  }
0xb4: {  	_ =	swait.ge [sflag:s29], $0x1  }
0xb5: {  	[sflag:s29] =	ssyncadd.s32 $0xFFFFFFFF  }
0xb6: {  	_ =	strace $0x90000048  }
0xb7: {  	_ =	sfence  }
0xb8: {  	s30 =	sld [smem:$0x0];
	_ =	sdelay $0x2  }
0xb9: {  	s31 =	sshll.u32 s1, $0xD;
	s1 =	sshrl.u32 s1, $0x2  }
0xba: {  	s3 =	sand.u32 $0x4000, s31;
	s1 =	sadd.s32 s1, s30  }
0xbb: {  	s0 =	sor.u32 s3, s0;
	s1 =	sshll.u32 s1, $0x11  }
0xbc: {  	s0 =	sor.u32 s1, s0  }
0xbd: {  	s0 =	sadd.s32 $0x8F2B, s0  }
0xbe: {  	[sflag:s0] =	ssyncadd.remote.s32 $0x1  }
0xbf: {  	_ =	sfence.sel $0xFFFF  }
0xc0: {  	[dreg:$0x0] =	wrdreg $0xFFFFFFFF;
	(pc) =	sbr.abs _section_cstart, $3  }
0xc1: {  	[dreg:$0x1] =	wrdreg $0xFFFFFFFF  }
0xc2: {  	_ =	task.clear_ibuf [dreg:s7], $0x2FFFF;
	_ =	strace $0x9FFFFFFF  }
0xc3: {  	(tm) =	ssettm $0x7FFFFFFF  }
tec
execute0_lowered:
.L_overlay_start_1:
0x0: {  	(tag) =	ssettag $0x1  }
0x1: {  	s6 =	rddreg [dreg:$0x0]  }
0x2: {  	s1 =	rddreg [dreg:$0x1]  }
0x3: {  	s2 =	rddreg [dreg:$0x2]  }
0x4: {  	s0 =	rddreg [dreg:$0x3]  }
0x5: {  	s3 =	simm.s32 $0x0;
	s4 =	srdreg.scid;
	s15 =	simm.s32 $0x50  }
0x6: {  	s16 =	simm.s32 $0x1;
	s17 =	simm.s32 $0x0;
	[smem:$0x7FF] =	sst s3  }
0x7: {  	s7 =	sand.u32 $0x1, s4;
	s5 =	sadd.s32 $0x11E00, s6;
	s12 =	sadd.s32 $0x12400, s6  }
0x8: {  	s14 =	sadd.s32 $0x128400, s2;
	s4 =	sshll.u32 s7, $0xB;
	s9 =	ssub.s32 $0x2, s7  }
0x9: {  	s7 =	smul.u32 $0x138800, s7;
	s8 =	sadd.s32 s4, s6;
	s4 =	stileid.u32  }
0xa: {  	_ =	strace $0x80000047;
	s10 =	sshrl.u32 s9, $0x1;
	s11 =	smul.u32 $0x4F000, s4  }
0xb: {  	s9 =	ssub.s32 s9, s10;
	s26 =	sshll.u32 s4, $0xC;
	s28 =	smul.u32 $0x13C00, s4  }
0xc: {  	p0 =	seq.s32 s4, $0xF;
	s29 =	sadd.s32 s26, s8;
	s9 =	smax.u32 s9, $0x1  }
0xd: {  	s10 =	sshrl.u32 @p0 s14, $0x3;
	s14 =	simm.s32 $0x2;
	s25 =	sshrl.u32 s11, $0x2  }
0xe: {  	s6 =	sadd.s32 $0x1E00, s29;
	s30 =	sadd.s32 s28, s7;
	s7 =	sshrl.u32 s7, $0x3  }
0xf: {  	s11 =	sshll.u32 @!p0 s4, $0x6;
	s13 =	sadd.s32 s25, s2;
	s8 =	sshrl.u32 s30, $0x3  }
0x10: {  	s31 =	sadd.s32 s12, s7;
	s11 =	sor.u32 @!p0 $0x1C02, s11;
	s7 =	sadd.s32 s12, s8  }
0x11: {  	s8 =	sadd.s32 $0x25080, s31;
	s12 =	sshrl.u32 @!p0 s13, $0x3;
	s13 =	simm.s32 $0x2710  }
.LBB2_1:
0x12: {  	s18 =	simm.s32 @p0 $0x1FC2  }
0x13: {  	[spmem:s10], [sflag:s18] =	dma.local @p0 [hbm:s1], $0x2080  }
0x14: {  	s18 =	simm.s32 @p0 $0x2  }
0x15: {  	_ =	swait.ge @p0 [sflag:s18], $0x2080  }
0x16: {  	[sflag:s18] =	ssyncset.done @p0 $0x0  }
0x17: {  	[sflag:s18] =	ssyncadd.s32 @p0 $0xFFFFDF80;
	s18 =	simm.s32 @!p0 $0x2  }
0x18: {  	[spmem:s12], [sflag:s11] =	dma.local @!p0 [hbm:s1], $0x2780  }
0x19: {  	_ =	swait.ge @!p0 [sflag:s18], $0x2780  }
0x1a: {  	[sflag:s18] =	ssyncset.done @!p0 $0x0  }
0x1b: {  	[sflag:s18] =	ssyncadd.s32 @!p0 $0xFFFFD880  }
0x1c: {  	[tilespmem:s13], [sflag:$0x2] =	stream.linear.gather [hbm4b:s5+s3], $0x2800, $0x38;
	[tilespmem:$0x8F10] =	vst v63  }
0x1d: {  	_ =	swait.ge [sflag:s14], $0x2800  }
0x1e: {  	[sflag:s14] =	ssyncset.done $0x0  }
0x1f: {  	s18 =	simm.s32 $0x4F10;
	[sflag:s14] =	ssyncadd.s32 $0xFFFFD800  }
0x20: {  	[tilespmem:s18], [sflag:$0x2] =	stream.linear.gather [hbm4b:s6+s3], $0x3E80, $0x38;
	[tilespmem:$0x8F10] =	vst v63  }
0x21: {  	_ =	swait.ge [sflag:s14], $0x3E80  }
0x22: {  	[sflag:s14] =	ssyncset.done $0x0  }
0x23: {  	p1 =	por $0x1, $0x1;
	[sflag:s14] =	ssyncadd.s32 $0xFFFFC180  }
0x24: {  	s20 =	simm.s32 @!p1 $0x1;
	[bflag:$0x0] =	sbarrier.arrive $0xFFFF  }
0x25: {  	[spmem:s2] =	stream.indirect.scatter.add.f32 [tilespmem:s13], [sflag:$0x1], $0x10, s18, s15, $0xb8;
	[tilespmem:$0x8F10] =	vst v63  }
0x26: {  	_ =	swait.ge @!p1 [sflag:s20], $0x500  }
0x27: {  	s19 =	simm.s32 $0x1;
	[sflag:s20] =	ssyncset.done @!p1 $0x0  }
.LBB2_2:
0x28: {  	[sflag:s20] =	ssyncadd.s32 @!p1 $0xFFFFFB00  }
0x29: {  	s18 =	sadd.s32 $0x80, s18;
	s20 =	smov.u32 s19;
	s19 =	sadd.s32 $0x1, s19  }
0x2a: {  	p2 =	sne.s32 s19, $0x7D  }
0x2b: {  	[spmem:s2] =	stream.indirect.scatter.add.f32 [tilespmem:s13], [sflag:$0x1], $0x10, s18, s15, $0xb8;
	[tilespmem:$0x8F10] =	vst v63  }
.Ltmp0:
0x2c: {  	_ = 	snop;
	(pc) =	sbr.rel @p2 .LBB2_2-.Ltmp0, $4  }
0x2d: {  	p1 =	slt.u32 s20, $0x8  }
0x2e: {  	s20 =	simm.s32 @!p1 $0x1  }
0x2f: {  	_ =	swait.ge @!p1 [sflag:s20], $0x500  }
0x30: {  	[sflag:s20] =	ssyncset.done @!p1 $0x0  }
0x31: {  	[sflag:s20] =	ssyncadd.s32 @!p1 $0xFFFFFB00  }
0x32: {  	_ =	swait.ge [sflag:s16], $0x500  }
0x33: {  	[sflag:s16] =	ssyncset.done $0x0  }
0x34: {  	[sflag:s16] =	ssyncadd.s32 $0xFFFFFB00  }
0x35: {  	_ =	swait.ge [sflag:s16], $0x500  }
0x36: {  	[sflag:s16] =	ssyncset.done $0x0  }
0x37: {  	[sflag:s16] =	ssyncadd.s32 $0xFFFFFB00  }
0x38: {  	_ =	swait.ge [sflag:s16], $0x500  }
0x39: {  	[sflag:s16] =	ssyncset.done $0x0  }
0x3a: {  	[sflag:s16] =	ssyncadd.s32 $0xFFFFFB00  }
0x3b: {  	_ =	swait.ge [sflag:s16], $0x500  }
0x3c: {  	[sflag:s16] =	ssyncset.done $0x0  }
0x3d: {  	[sflag:s16] =	ssyncadd.s32 $0xFFFFFB00  }
0x3e: {  	_ =	swait.ge [sflag:s16], $0x500  }
0x3f: {  	[sflag:s16] =	ssyncset.done $0x0  }
0x40: {  	[sflag:s16] =	ssyncadd.s32 $0xFFFFFB00  }
0x41: {  	_ =	swait.ge [sflag:s16], $0x500  }
0x42: {  	[sflag:s16] =	ssyncset.done $0x0  }
0x43: {  	[sflag:s16] =	ssyncadd.s32 $0xFFFFFB00  }
0x44: {  	_ =	swait.ge [sflag:s16], $0x500  }
0x45: {  	[sflag:s16] =	ssyncset.done $0x0  }
0x46: {  	[sflag:s16] =	ssyncadd.s32 $0xFFFFFB00  }
0x47: {  	_ =	swait.ge [sflag:s16], $0x500  }
0x48: {  	[sflag:s16] =	ssyncset.done $0x0  }
0x49: {  	[sflag:s16] =	ssyncadd.s32 $0xFFFFFB00  }
0x4a: {  	s18 =	simm.s32 @p0 $0x1FC2;
	[bflag:$0x0] =	sbarrier.arrive $0xFFFF  }
0x4b: {  	[hbm:s8], [sflag:s18] =	dma.local @p0 [spmem:s10], $0x2080  }
0x4c: {  	s18 =	simm.s32 @p0 $0x2  }
0x4d: {  	s17 =	sadd.s32 $0x1, s17;
	_ =	swait.ge @p0 [sflag:s18], $0x2080  }
0x4e: {  	p1 =	sne.s32 s17, s9;
	[sflag:s18] =	ssyncset.done @p0 $0x0  }
.Ltmp1:
0x4f: {  	[sflag:s18] =	ssyncadd.s32 @p0 $0xFFFFDF80;
	s18 =	simm.s32 @!p0 $0x2;
	(pc) =	sbr.rel @p1 .LBB2_1-.Ltmp1, $4  }
0x50: {  	[hbm:s7], [sflag:s11] =	dma.local @!p0 [spmem:s12], $0x2780  }
0x51: {  	_ =	swait.ge @!p0 [sflag:s18], $0x2780  }
0x52: {  	[sflag:s18] =	ssyncset.done @!p0 $0x0  }
0x53: {  	[sflag:s18] =	ssyncadd.s32 @!p0 $0xFFFFD880  }
0x54: {  	_ =	sfence.sel $0x180000  }
0x55: {  	[bflag:$0x0] =	sbarrier.arrive $0xFFFF  }
0x56: {  	p0 =	sne.s32 s4, $0x0;
	_ =	strace $0x90000047  }
0x57: {  	s0 =	sadd.s32 @!p0 $0x100000, s0;
	[bflag:$0x2] =	sbarrier.arrive $0xFFFF  }
0x58: {  	[sflag:s0] =	ssyncadd.tile.s32 @!p0 $0x1;
	_ =	shalt  }
.Lfunc_end2:
_tile_overlayer_lowered:
.L_overlay_start_2:
0x59: {  	(tag) =	ssettag $0x2  }
0x5a: {  	s0 =	rddreg [dreg:$0x0];
	s2 =	stileid.u32  }
0x5b: {  	s1 =	rddreg [dreg:$0x1];
	p0 =	sne.s32 s2, $0x0  }
0x5c: {  	s3 =	rddreg [dreg:$0x2];
	[bflag:$0x3] =	sbarrier.arrive $0xFFFF;
	s2 =	simm.s32 @!p0 $0x1C02  }
0x5d: {  	[timem:s3], [sflag:s2] =	dma.local @!p0 [hbm:s0], s1  }
0x5e: {  	s0 =	simm.s32 @!p0 $0x2  }
0x5f: {  	_ =	swait.ge @!p0 [sflag:s0], s1  }
0x60: {  	s1 =	ssub.s32 @!p0 $0x0, s1;
	[sflag:s0] =	ssyncset.done @!p0 $0x0  }
0x61: {  	[sflag:s0] =	ssyncadd.s32 @!p0 s1  }
0x62: {  	[bflag:$0x3] =	sbarrier.arrive $0xFFFF  }
0x63: {  	_ =	shalt  }

</sc_bundles>
